<compile_context>
chip_gen: v7x
topology: tpu7x:2x2x1
jax: 0.10.2.dev20260603
libtpu: 0.0.44.dev20260713+nightly
codegen_flags: <defaults>
</compile_context>

<pallas_src>
import functools
import math

import jax
import jax.numpy as jnp
from jax import lax
from jax.experimental import pallas as pl
from jax.experimental.pallas import tpu as pltpu
from jax.experimental.pallas import tpu_sc as plsc

H = 4
D = 128
DH = D // H
KVD = 2 * D
NC = 2
NS = 16
LANES = 16
CHUNK = 80
IB = 5
PACK = 16


def _qkv_body(x_ref, wq_ref, wk_ref, wv_ref, b_ref, q_ref, k_ref, v_ref):
    x = x_ref[...]
    scale = 1.0 / math.sqrt(DH)
    q = jnp.dot(x, wq_ref[...], preferred_element_type=jnp.float32)
    q_ref[...] = (q + b_ref[0:1, :]) * scale
    k_ref[...] = jnp.dot(x, wk_ref[...], preferred_element_type=jnp.float32) + b_ref[1:2, :]
    v_ref[...] = jnp.dot(x, wv_ref[...], preferred_element_type=jnp.float32) + b_ref[2:3, :]


def _qkv(x, wq, wk, wv, bpad):
    n = x.shape[0]
    return pl.pallas_call(
        _qkv_body,
        out_shape=[
            jax.ShapeDtypeStruct((n, D), jnp.float32),
            jax.ShapeDtypeStruct((n, D), jnp.float32),
            jax.ShapeDtypeStruct((n, D), jnp.float32),
        ],
    )(x, wq, wk, wv, bpad)


def _edge_body(npad, ept, q_hbm, k_hbm, v_hbm, dst_hbm, src_hbm,
               num_hbm, den_hbm,
               idx_dc, idx_sc, idx_dp, qnum, kbuf, ex_v, ehb,
               num_sh, den_sh, sem_q, sem_kv):
    c = lax.axis_index("c")
    s = lax.axis_index("s")
    rpt = npad // NS
    dpt = npad // PACK // NS
    nchunk = ept // CHUNK

    z16 = jnp.zeros((LANES,), jnp.float32)

    def _zero_body(r, _):
        for k in range(D // LANES):
            qnum[r, k * LANES:(k + 1) * LANES] = z16
            ex_v[r, k * LANES:(k + 1) * LANES] = z16
        return 0
    lax.fori_loop(0, CHUNK, _zero_body, 0)

    r0 = s * rpt
    nfull = rpt // CHUNK
    rem = rpt - nfull * CHUNK
    for i in range(nfull):
        pltpu.sync_copy(qnum, num_sh.at[pl.ds(r0 + i * CHUNK, CHUNK)])
    if rem:
        pltpu.sync_copy(qnum.at[pl.ds(0, rem)],
                        num_sh.at[pl.ds(r0 + nfull * CHUNK, rem)])
    pltpu.sync_copy(ex_v.at[pl.ds(0, dpt)], den_sh.at[pl.ds(s * dpt, dpt)])
    plsc.subcore_barrier()

    base = (c * NS + s) * ept

    def _chunk(i, _):
        off = base + i * CHUNK
        pltpu.sync_copy(dst_hbm.at[pl.ds(off, CHUNK)], idx_dc)
        pltpu.sync_copy(src_hbm.at[pl.ds(off, CHUNK)], idx_sc)
        for g in range(CHUNK // LANES):
            dvec = idx_dc[g * LANES:(g + 1) * LANES]
            idx_dp[g * LANES:(g + 1) * LANES] = dvec >> 4
        cq = pltpu.async_copy(q_hbm.at[idx_dc], qnum, sem_q)
        ck = pltpu.async_copy(k_hbm.at[idx_sc], kbuf, sem_kv)
        cq.wait()
        ck.wait()
        lane = jnp.arange(LANES, dtype=jnp.int32)
        i15 = jnp.full((LANES,), LANES - 1, jnp.int32)

        def _edge(e, _):
            ehrow = z16
            for h in range(H):
                c0 = h * DH
                p = (qnum[e, c0:c0 + 16] * kbuf[e, c0:c0 + 16]
                     + qnum[e, c0 + 16:c0 + 32] * kbuf[e, c0 + 16:c0 + 32])
                sb = jnp.take(plsc.cumsum(p), i15)
                ehh = jnp.exp(jnp.minimum(sb, 60.0))
                ehrow = jnp.where(lane == h, ehh, ehrow)
            ehb[e, 0:LANES] = ehrow
            return 0
        lax.fori_loop(0, CHUNK, _edge, 0)
        for g in range(CHUNK // LANES):
            rows = lane + (g * LANES)
            cbase = (idx_dc[g * LANES:(g + 1) * LANES] & (PACK - 1)) << 3
            for h in range(H):
                ehcol = plsc.load_gather(
                    ehb, [rows, jnp.full((LANES,), h, jnp.int32)])
                plsc.store_scatter(ex_v, [rows, cbase + h], ehcol)
        cv = pltpu.async_copy(v_hbm.at[idx_sc], kbuf, sem_kv)
        cv.wait()

        def _vedge(e, _):
            er = ehb[e, 0:LANES]
            for h in range(H):
                ehh = jnp.take(er, jnp.full((LANES,), h, jnp.int32))
                for k2 in range(2):
                    cl = h * DH + k2 * 16
                    qnum[e, cl:cl + 16] = ehh * kbuf[e, cl:cl + 16]
            return 0
        lax.fori_loop(0, CHUNK, _vedge, 0)
        pltpu.sync_copy(qnum, num_sh.at[idx_dc], add=True)
        pltpu.sync_copy(ex_v, den_sh.at[idx_dp], add=True)

        for g in range(CHUNK // LANES):
            rows = lane + (g * LANES)
            cbase = (idx_dc[g * LANES:(g + 1) * LANES] & (PACK - 1)) << 3
            for h in range(H):
                plsc.store_scatter(ex_v, [rows, cbase + h], z16)
        return 0

    lax.fori_loop(0, nchunk, _chunk, 0)
    plsc.subcore_barrier()

    pltpu.sync_copy(num_sh.at[pl.ds(r0, rpt)], num_hbm.at[c, pl.ds(r0, rpt)])
    pltpu.sync_copy(den_sh.at[pl.ds(s * dpt, dpt)],
                    den_hbm.at[c, pl.ds(s * dpt, dpt)])


def _edges(q, k, v, dst, src):
    n = q.shape[0]
    e = dst.shape[0]
    assert e % (NC * NS) == 0
    ept = e // (NC * NS)
    assert ept % (CHUNK * IB) == 0
    npad = -(-n // (NS * 64)) * (NS * 64)
    mesh = plsc.VectorSubcoreMesh(core_axis_name="c", subcore_axis_name="s")
    kfn = pl.kernel(
        functools.partial(_edge_body, npad, ept),
        out_type=[
            jax.ShapeDtypeStruct((NC, npad, D), jnp.float32),
            jax.ShapeDtypeStruct((NC, npad // PACK, D), jnp.float32),
        ],
        mesh=mesh,
        compiler_params=pltpu.CompilerParams(needs_layout_passes=False),
        scratch_types=[
            pltpu.VMEM((CHUNK,), jnp.int32),
            pltpu.VMEM((CHUNK,), jnp.int32),
            pltpu.VMEM((CHUNK,), jnp.int32),
            pltpu.VMEM((CHUNK, D), jnp.float32),
            pltpu.VMEM((CHUNK, D), jnp.float32),
            pltpu.VMEM((CHUNK, D), jnp.float32),
            pltpu.VMEM((CHUNK, LANES), jnp.float32),
            pltpu.VMEM_SHARED((npad, D), jnp.float32),
            pltpu.VMEM_SHARED((npad // PACK, D), jnp.float32),
            pltpu.SemaphoreType.DMA,
            pltpu.SemaphoreType.DMA,
        ],
    )
    num, denp = kfn(q, k, v, dst, src)
    return num, denp.reshape(NC, npad, 8)


def _fin_body(num_ref, den_ref, sel_ref, o_ref):
    d = den_ref[0] + den_ref[1]
    dx = jnp.dot(d, sel_ref[...], preferred_element_type=jnp.float32) + 1e-16
    o_ref[...] = (num_ref[0] + num_ref[1]) / dx


def _finish(num, den, sel):
    n = num.shape[1]
    return pl.pallas_call(
        _fin_body,
        out_shape=jax.ShapeDtypeStruct((n, D), jnp.float32),
    )(num, den, sel)


def kernel(node_states, edge_indices, Wq, bq, Wk, bk, Wv, bv):
    b, n, d = node_states.shape
    x = node_states.reshape(b * n, d)
    bpad = jnp.zeros((8, d), jnp.float32).at[0].set(bq).at[1].set(bk).at[2].set(bv)
    q, k, v = _qkv(x, Wq, Wk, Wv, bpad)
    dst = edge_indices[1]
    src = edge_indices[2]
    num, den = _edges(q, k, v, dst, src)
    sel = jnp.concatenate(
        [jnp.repeat(jnp.eye(H, dtype=jnp.float32), DH, axis=1),
         jnp.zeros((8 - H, D), jnp.float32)], axis=0)
    out = _finish(num, den, sel)
    return out[:n].reshape(b, n, d)

# --- scband reference (transcript-rebuilt; emitter-appended) ---
"""Pipeline reference for scband-gatbert-self-attention-6322191860303 (READ-ONLY COPY).

The authoritative reference and input builder live on the scoring server;
editing this copy changes nothing except your own understanding.
"""

import jax, jax.numpy as jnp
import numpy as np

NUM_HEADS = 4

def setup_inputs(seed: int = 0) -> dict:
    key = jax.random.key(seed)
    ks = jax.random.split(key, 8)
    B, N, D, E = 1, 10000, 128, 320000
    node_states = jax.random.normal(ks[0], (B, N, D), dtype=jnp.float32)
    dst = jax.random.randint(ks[1], (E,), 0, N, dtype=jnp.int32)
    src = jax.random.randint(ks[2], (E,), 0, N, dtype=jnp.int32)
    bidx = jnp.zeros((E,), dtype=jnp.int32)  # batch index (batch=1)
    edge_indices = jnp.stack([bidx, dst, src], axis=0)
    Wq = jax.random.normal(ks[3], (D, D), dtype=jnp.float32) * 0.02
    Wk = jax.random.normal(ks[4], (D, D), dtype=jnp.float32) * 0.02
    Wv = jax.random.normal(ks[5], (D, D), dtype=jnp.float32) * 0.02
    bq = jnp.zeros((D,), dtype=jnp.float32)
    bk = jnp.zeros((D,), dtype=jnp.float32)
    bv = jnp.zeros((D,), dtype=jnp.float32)
    return {"node_states": node_states, "edge_indices": edge_indices,
            "Wq": Wq, "bq": bq, "Wk": Wk, "bk": bk, "Wv": Wv, "bv": bv}


def reference(node_states, edge_indices, Wq, bq, Wk, bk, Wv, bv):
    B, N, D = node_states.shape
    H = NUM_HEADS
    Dh = D // H
    b = edge_indices[0]
    dst = edge_indices[1]
    src = edge_indices[2]
    # BERT-style Q/K/V projections (concrete compute_attention_scores / compute_values)
    Q = node_states @ Wq + bq
    K = node_states @ Wk + bk
    V = node_states @ Wv + bv
    # gather per-edge query (dst) and key (src) -> per-edge, per-head logits
    qe = Q[b, dst].reshape(-1, H, Dh)
    ke = K[b, src].reshape(-1, H, Dh)
    scores = jnp.sum(qe * ke, axis=-1) / np.sqrt(Dh).astype(np.float32)  # (E, H)
    # sparse softmax over source nodes (dim=-2): segment softmax grouped by (batch, dst)
    seg = b * N + dst
    nseg = B * N
    smax = jax.ops.segment_max(scores, seg, num_segments=nseg)
    smax = jnp.where(jnp.isneginf(smax), 0.0, smax)
    ex = jnp.exp(scores - smax[seg])
    denom = jax.ops.segment_sum(ex, seg, num_segments=nseg)
    attn = ex / (denom[seg] + 1e-16)  # (E, H); dropout is identity in eval mode
    # per-edge values gathered from src nodes
    ve = V[b, src].reshape(-1, H, Dh)
    prod = (attn[..., None] * ve).reshape(-1, D)  # elwise_prod flattened
    # sparse.mm(edge_mask, elwise_prod) == scatter-add by (batch*n_nodes + dst)
    out = jax.ops.segment_sum(prod, seg, num_segments=nseg)
    return out.reshape(B, N, D)

if __name__ == "__main__":
    import jax
    _d = setup_inputs()
    print(jax.jit(kernel)(*tuple(_d.values())))

</pallas_src>

<mosaic_0001>
#map = affine_map<(d0, d1) -> (0, 0)>
#map1 = affine_map<(d0, d1) -> (0)>
#map2 = affine_map<(d0, d1) -> (0, 0, 0)>
module attributes {stable_mosaic.version = 14 : i64} {
  func.func @_edge_body(%arg0: i32, %arg1: i32, %arg2: memref<10000x128xf32, #tpu.memory_space<hbm>>, %arg3: memref<10000x128xf32, #tpu.memory_space<hbm>>, %arg4: memref<10000x128xf32, #tpu.memory_space<hbm>>, %arg5: memref<320000xi32, #tpu.memory_space<hbm>>, %arg6: memref<320000xi32, #tpu.memory_space<hbm>>, %arg7: memref<2x10240x128xf32, #tpu.memory_space<hbm>>, %arg8: memref<2x640x128xf32, #tpu.memory_space<hbm>>, %arg9: memref<80xi32, #tpu.memory_space<vmem>>, %arg10: memref<80xi32, #tpu.memory_space<vmem>>, %arg11: memref<80xi32, #tpu.memory_space<vmem>>, %arg12: memref<80x128xf32, #tpu.memory_space<vmem>>, %arg13: memref<80x128xf32, #tpu.memory_space<vmem>>, %arg14: memref<80x128xf32, #tpu.memory_space<vmem>>, %arg15: memref<80x16xf32, #tpu.memory_space<vmem>>, %arg16: memref<10240x128xf32, #tpu.memory_space<vmem_shared>>, %arg17: memref<640x128xf32, #tpu.memory_space<vmem_shared>>, %arg18: memref<!tpu.dma_semaphore, #tpu.memory_space<semaphore_mem>>, %arg19: memref<!tpu.dma_semaphore, #tpu.memory_space<semaphore_mem>>) attributes {dimension_semantics = [#tpu.dimension_semantics<core_parallel>, #tpu.dimension_semantics<subcore_parallel>], iteration_bounds = array<i64: 2, 16>, scalar_prefetch = 0 : i64, scratch_operands = 11 : i64, tpu.core_type = #tpu.core_type<sc_vector_subcore>, window_params = [{transform_indices = #map}, {transform_indices = #map}, {transform_indices = #map}, {transform_indices = #map1}, {transform_indices = #map1}, {transform_indices = #map2}, {transform_indices = #map2}]} {
    %broadcast_in_dim3A = arith.constant 0.000000e+00 : f32
    %broadcast_in_dim3A_0 = vector.broadcast %broadcast_in_dim3A : f32 to vector<16xf32>
    %scan3A = arith.constant 0 : i32
    %scan3A_1 = arith.constant 0 : i32
    %scan3A_2 = arith.constant 80 : i32
    %scan3A_3 = arith.addi %scan3A_1, %scan3A_2 : i32
    %scan3A_4 = arith.constant 1 : i32
    %scan3A_5 = scf.for %scan3A_42 = %scan3A_1 to %scan3A_3 step %scan3A_4 iter_args(%scan3A_43 = %scan3A) -> (i32)  : i32 {
      %swap3A = arith.index_cast %scan3A_42 : i32 to index
      %swap3A_44 = arith.constant 0 : index
      %swap3A_45 = tpu.vector_load %arg12[%swap3A, %swap3A_44] {strides = array<i32>} : memref<80x128xf32, #tpu.memory_space<vmem>>, vector<16xf32>,
      tpu.vector_store %arg12[%swap3A, %swap3A_44], %broadcast_in_dim3A_0 {strides = array<i32>} : memref<80x128xf32, #tpu.memory_space<vmem>>, vector<16xf32>,
      %swap3A_46 = arith.index_cast %scan3A_42 : i32 to index
      %swap3A_47 = arith.constant 0 : index
      %swap3A_48 = tpu.vector_load %arg14[%swap3A_46, %swap3A_47] {strides = array<i32>} : memref<80x128xf32, #tpu.memory_space<vmem>>, vector<16xf32>,
      tpu.vector_store %arg14[%swap3A_46, %swap3A_47], %broadcast_in_dim3A_0 {strides = array<i32>} : memref<80x128xf32, #tpu.memory_space<vmem>>, vector<16xf32>,
      %swap3A_49 = arith.index_cast %scan3A_42 : i32 to index
      %swap3A_50 = arith.constant 16 : index
      %swap3A_51 = tpu.vector_load %arg12[%swap3A_49, %swap3A_50] {strides = array<i32>} : memref<80x128xf32, #tpu.memory_space<vmem>>, vector<16xf32>,
      tpu.vector_store %arg12[%swap3A_49, %swap3A_50], %broadcast_in_dim3A_0 {strides = array<i32>} : memref<80x128xf32, #tpu.memory_space<vmem>>, vector<16xf32>,
      %swap3A_52 = arith.index_cast %scan3A_42 : i32 to index
      %swap3A_53 = arith.constant 16 : index
      %swap3A_54 = tpu.vector_load %arg14[%swap3A_52, %swap3A_53] {strides = array<i32>} : memref<80x128xf32, #tpu.memory_space<vmem>>, vector<16xf32>,
      tpu.vector_store %arg14[%swap3A_52, %swap3A_53], %broadcast_in_dim3A_0 {strides = array<i32>} : memref<80x128xf32, #tpu.memory_space<vmem>>, vector<16xf32>,
      %swap3A_55 = arith.index_cast %scan3A_42 : i32 to index
      %swap3A_56 = arith.constant 32 : index
      %swap3A_57 = tpu.vector_load %arg12[%swap3A_55, %swap3A_56] {strides = array<i32>} : memref<80x128xf32, #tpu.memory_space<vmem>>, vector<16xf32>,
      tpu.vector_store %arg12[%swap3A_55, %swap3A_56], %broadcast_in_dim3A_0 {strides = array<i32>} : memref<80x128xf32, #tpu.memory_space<vmem>>, vector<16xf32>,
      %swap3A_58 = arith.index_cast %scan3A_42 : i32 to index
      %swap3A_59 = arith.constant 32 : index
      %swap3A_60 = tpu.vector_load %arg14[%swap3A_58, %swap3A_59] {strides = array<i32>} : memref<80x128xf32, #tpu.memory_space<vmem>>, vector<16xf32>,
      tpu.vector_store %arg14[%swap3A_58, %swap3A_59], %broadcast_in_dim3A_0 {strides = array<i32>} : memref<80x128xf32, #tpu.memory_space<vmem>>, vector<16xf32>,
      %swap3A_61 = arith.index_cast %scan3A_42 : i32 to index
      %swap3A_62 = arith.constant 48 : index
      %swap3A_63 = tpu.vector_load %arg12[%swap3A_61, %swap3A_62] {strides = array<i32>} : memref<80x128xf32, #tpu.memory_space<vmem>>, vector<16xf32>,
      tpu.vector_store %arg12[%swap3A_61, %swap3A_62], %broadcast_in_dim3A_0 {strides = array<i32>} : memref<80x128xf32, #tpu.memory_space<vmem>>, vector<16xf32>,
      %swap3A_64 = arith.index_cast %scan3A_42 : i32 to index
      %swap3A_65 = arith.constant 48 : index
      %swap3A_66 = tpu.vector_load %arg14[%swap3A_64, %swap3A_65] {strides = array<i32>} : memref<80x128xf32, #tpu.memory_space<vmem>>, vector<16xf32>,
      tpu.vector_store %arg14[%swap3A_64, %swap3A_65], %broadcast_in_dim3A_0 {strides = array<i32>} : memref<80x128xf32, #tpu.memory_space<vmem>>, vector<16xf32>,
      %swap3A_67 = arith.index_cast %scan3A_42 : i32 to index
      %swap3A_68 = arith.constant 64 : index
      %swap3A_69 = tpu.vector_load %arg12[%swap3A_67, %swap3A_68] {strides = array<i32>} : memref<80x128xf32, #tpu.memory_space<vmem>>, vector<16xf32>,
      tpu.vector_store %arg12[%swap3A_67, %swap3A_68], %broadcast_in_dim3A_0 {strides = array<i32>} : memref<80x128xf32, #tpu.memory_space<vmem>>, vector<16xf32>,
      %swap3A_70 = arith.index_cast %scan3A_42 : i32 to index
      %swap3A_71 = arith.constant 64 : index
      %swap3A_72 = tpu.vector_load %arg14[%swap3A_70, %swap3A_71] {strides = array<i32>} : memref<80x128xf32, #tpu.memory_space<vmem>>, vector<16xf32>,
      tpu.vector_store %arg14[%swap3A_70, %swap3A_71], %broadcast_in_dim3A_0 {strides = array<i32>} : memref<80x128xf32, #tpu.memory_space<vmem>>, vector<16xf32>,
      %swap3A_73 = arith.index_cast %scan3A_42 : i32 to index
      %swap3A_74 = arith.constant 80 : index
      %swap3A_75 = tpu.vector_load %arg12[%swap3A_73, %swap3A_74] {strides = array<i32>} : memref<80x128xf32, #tpu.memory_space<vmem>>, vector<16xf32>,
      tpu.vector_store %arg12[%swap3A_73, %swap3A_74], %broadcast_in_dim3A_0 {strides = array<i32>} : memref<80x128xf32, #tpu.memory_space<vmem>>, vector<16xf32>,
      %swap3A_76 = arith.index_cast %scan3A_42 : i32 to index
      %swap3A_77 = arith.constant 80 : index
      %swap3A_78 = tpu.vector_load %arg14[%swap3A_76, %swap3A_77] {strides = array<i32>} : memref<80x128xf32, #tpu.memory_space<vmem>>, vector<16xf32>,
      tpu.vector_store %arg14[%swap3A_76, %swap3A_77], %broadcast_in_dim3A_0 {strides = array<i32>} : memref<80x128xf32, #tpu.memory_space<vmem>>, vector<16xf32>,
      %swap3A_79 = arith.index_cast %scan3A_42 : i32 to index
      %swap3A_80 = arith.constant 96 : index
      %swap3A_81 = tpu.vector_load %arg12[%swap3A_79, %swap3A_80] {strides = array<i32>} : memref<80x128xf32, #tpu.memory_space<vmem>>, vector<16xf32>,
      tpu.vector_store %arg12[%swap3A_79, %swap3A_80], %broadcast_in_dim3A_0 {strides = array<i32>} : memref<80x128xf32, #tpu.memory_space<vmem>>, vector<16xf32>,
      %swap3A_82 = arith.index_cast %scan3A_42 : i32 to index
      %swap3A_83 = arith.constant 96 : index
      %swap3A_84 = tpu.vector_load %arg14[%swap3A_82, %swap3A_83] {strides = array<i32>} : memref<80x128xf32, #tpu.memory_space<vmem>>, vector<16xf32>,
      tpu.vector_store %arg14[%swap3A_82, %swap3A_83], %broadcast_in_dim3A_0 {strides = array<i32>} : memref<80x128xf32, #tpu.memory_space<vmem>>, vector<16xf32>,
      %swap3A_85 = arith.index_cast %scan3A_42 : i32 to index
      %swap3A_86 = arith.constant 112 : index
      %swap3A_87 = tpu.vector_load %arg12[%swap3A_85, %swap3A_86] {strides = array<i32>} : memref<80x128xf32, #tpu.memory_space<vmem>>, vector<16xf32>,
      tpu.vector_store %arg12[%swap3A_85, %swap3A_86], %broadcast_in_dim3A_0 {strides = array<i32>} : memref<80x128xf32, #tpu.memory_space<vmem>>, vector<16xf32>,
      %swap3A_88 = arith.index_cast %scan3A_42 : i32 to index
      %swap3A_89 = arith.constant 112 : index
      %swap3A_90 = tpu.vector_load %arg14[%swap3A_88, %swap3A_89] {strides = array<i32>} : memref<80x128xf32, #tpu.memory_space<vmem>>, vector<16xf32>,
      tpu.vector_store %arg14[%swap3A_88, %swap3A_89], %broadcast_in_dim3A_0 {strides = array<i32>} : memref<80x128xf32, #tpu.memory_space<vmem>>, vector<16xf32>,
      %scan3A_91 = arith.constant 0 : i32
      scf.yield %scan3A_91 : i32
    }
    %scan3A_6 = arith.constant 80 : i32
    %mul3A = arith.constant 640 : i32
    %mul3A_7 = arith.muli %arg1, %mul3A : i32
    %add3A = arith.constant 0 : i32
    %add3A_8 = arith.addi %mul3A_7, %add3A : i32
    "tpu.region"() ({
      %run_scoped3A = tpu.sem_alloc : memref<!tpu.dma_semaphore, #tpu.memory_space<semaphore_mem>>
      %dma_start3A = arith.constant 0 : i32
      %dma_start3A_42 = tpu.memref_slice %arg16[%add3A_8, %dma_start3A] : memref<10240x128xf32, #tpu.memory_space<vmem_shared>> -> memref<80x128xf32, #tpu.memory_space<vmem_shared>>
      %dma_start3A_43 = arith.constant 0 : i32
      %dma_start3A_44 = tpu.memref_slice %arg16[%add3A_8, %dma_start3A_43] : memref<10240x128xf32, #tpu.memory_space<vmem_shared>> -> memref<80x128xf32, #tpu.memory_space<vmem_shared>>
      tpu.enqueue_dma source(%arg12 : memref<80x128xf32, #tpu.memory_space<vmem>>) target(%dma_start3A_44 : memref<80x128xf32, #tpu.memory_space<vmem_shared>>) target_semaphore(%run_scoped3A : memref<!tpu.dma_semaphore, #tpu.memory_space<semaphore_mem>>)
      %dma_wait3A = arith.constant 0 : i32
      %dma_wait3A_45 = tpu.memref_slice %arg16[%add3A_8, %dma_wait3A] : memref<10240x128xf32, #tpu.memory_space<vmem_shared>> -> memref<80x128xf32, #tpu.memory_space<vmem_shared>>
      %dma_wait3A_46 = arith.constant 0 : i32
      %dma_wait3A_47 = tpu.memref_slice %arg16[%add3A_8, %dma_wait3A_46] : memref<10240x128xf32, #tpu.memory_space<vmem_shared>> -> memref<80x128xf32, #tpu.memory_space<vmem_shared>>
      tpu.wait_dma2 semaphore(%run_scoped3A : memref<!tpu.dma_semaphore, #tpu.memory_space<semaphore_mem>>) src(%arg12 : memref<80x128xf32, #tpu.memory_space<vmem>>) dst(%dma_wait3A_47 : memref<80x128xf32, #tpu.memory_space<vmem_shared>>)
      tpu.yield
    }) : () -> ()
    %add3A_9 = arith.constant 80 : i32
    %add3A_10 = arith.addi %mul3A_7, %add3A_9 : i32
    "tpu.region"() ({
      %run_scoped3A = tpu.sem_alloc : memref<!tpu.dma_semaphore, #tpu.memory_space<semaphore_mem>>
      %dma_start3A = arith.constant 0 : i32
      %dma_start3A_42 = tpu.memref_slice %arg16[%add3A_10, %dma_start3A] : memref<10240x128xf32, #tpu.memory_space<vmem_shared>> -> memref<80x128xf32, #tpu.memory_space<vmem_shared>>
      %dma_start3A_43 = arith.constant 0 : i32
      %dma_start3A_44 = tpu.memref_slice %arg16[%add3A_10, %dma_start3A_43] : memref<10240x128xf32, #tpu.memory_space<vmem_shared>> -> memref<80x128xf32, #tpu.memory_space<vmem_shared>>
      tpu.enqueue_dma source(%arg12 : memref<80x128xf32, #tpu.memory_space<vmem>>) target(%dma_start3A_44 : memref<80x128xf32, #tpu.memory_space<vmem_shared>>) target_semaphore(%run_scoped3A : memref<!tpu.dma_semaphore, #tpu.memory_space<semaphore_mem>>)
      %dma_wait3A = arith.constant 0 : i32
      %dma_wait3A_45 = tpu.memref_slice %arg16[%add3A_10, %dma_wait3A] : memref<10240x128xf32, #tpu.memory_space<vmem_shared>> -> memref<80x128xf32, #tpu.memory_space<vmem_shared>>
      %dma_wait3A_46 = arith.constant 0 : i32
      %dma_wait3A_47 = tpu.memref_slice %arg16[%add3A_10, %dma_wait3A_46] : memref<10240x128xf32, #tpu.memory_space<vmem_shared>> -> memref<80x128xf32, #tpu.memory_space<vmem_shared>>
      tpu.wait_dma2 semaphore(%run_scoped3A : memref<!tpu.dma_semaphore, #tpu.memory_space<semaphore_mem>>) src(%arg12 : memref<80x128xf32, #tpu.memory_space<vmem>>) dst(%dma_wait3A_47 : memref<80x128xf32, #tpu.memory_space<vmem_shared>>)
      tpu.yield
    }) : () -> ()
    %add3A_11 = arith.constant 160 : i32
    %add3A_12 = arith.addi %mul3A_7, %add3A_11 : i32
    "tpu.region"() ({
      %run_scoped3A = tpu.sem_alloc : memref<!tpu.dma_semaphore, #tpu.memory_space<semaphore_mem>>
      %dma_start3A = arith.constant 0 : i32
      %dma_start3A_42 = tpu.memref_slice %arg16[%add3A_12, %dma_start3A] : memref<10240x128xf32, #tpu.memory_space<vmem_shared>> -> memref<80x128xf32, #tpu.memory_space<vmem_shared>>
      %dma_start3A_43 = arith.constant 0 : i32
      %dma_start3A_44 = tpu.memref_slice %arg16[%add3A_12, %dma_start3A_43] : memref<10240x128xf32, #tpu.memory_space<vmem_shared>> -> memref<80x128xf32, #tpu.memory_space<vmem_shared>>
      tpu.enqueue_dma source(%arg12 : memref<80x128xf32, #tpu.memory_space<vmem>>) target(%dma_start3A_44 : memref<80x128xf32, #tpu.memory_space<vmem_shared>>) target_semaphore(%run_scoped3A : memref<!tpu.dma_semaphore, #tpu.memory_space<semaphore_mem>>)
      %dma_wait3A = arith.constant 0 : i32
      %dma_wait3A_45 = tpu.memref_slice %arg16[%add3A_12, %dma_wait3A] : memref<10240x128xf32, #tpu.memory_space<vmem_shared>> -> memref<80x128xf32, #tpu.memory_space<vmem_shared>>
      %dma_wait3A_46 = arith.constant 0 : i32
      %dma_wait3A_47 = tpu.memref_slice %arg16[%add3A_12, %dma_wait3A_46] : memref<10240x128xf32, #tpu.memory_space<vmem_shared>> -> memref<80x128xf32, #tpu.memory_space<vmem_shared>>
      tpu.wait_dma2 semaphore(%run_scoped3A : memref<!tpu.dma_semaphore, #tpu.memory_space<semaphore_mem>>) src(%arg12 : memref<80x128xf32, #tpu.memory_space<vmem>>) dst(%dma_wait3A_47 : memref<80x128xf32, #tpu.memory_space<vmem_shared>>)
      tpu.yield
    }) : () -> ()
    %add3A_13 = arith.constant 240 : i32
    %add3A_14 = arith.addi %mul3A_7, %add3A_13 : i32
    "tpu.region"() ({
      %run_scoped3A = tpu.sem_alloc : memref<!tpu.dma_semaphore, #tpu.memory_space<semaphore_mem>>
      %dma_start3A = arith.constant 0 : i32
      %dma_start3A_42 = tpu.memref_slice %arg16[%add3A_14, %dma_start3A] : memref<10240x128xf32, #tpu.memory_space<vmem_shared>> -> memref<80x128xf32, #tpu.memory_space<vmem_shared>>
      %dma_start3A_43 = arith.constant 0 : i32
      %dma_start3A_44 = tpu.memref_slice %arg16[%add3A_14, %dma_start3A_43] : memref<10240x128xf32, #tpu.memory_space<vmem_shared>> -> memref<80x128xf32, #tpu.memory_space<vmem_shared>>
      tpu.enqueue_dma source(%arg12 : memref<80x128xf32, #tpu.memory_space<vmem>>) target(%dma_start3A_44 : memref<80x128xf32, #tpu.memory_space<vmem_shared>>) target_semaphore(%run_scoped3A : memref<!tpu.dma_semaphore, #tpu.memory_space<semaphore_mem>>)
      %dma_wait3A = arith.constant 0 : i32
      %dma_wait3A_45 = tpu.memref_slice %arg16[%add3A_14, %dma_wait3A] : memref<10240x128xf32, #tpu.memory_space<vmem_shared>> -> memref<80x128xf32, #tpu.memory_space<vmem_shared>>
      %dma_wait3A_46 = arith.constant 0 : i32
      %dma_wait3A_47 = tpu.memref_slice %arg16[%add3A_14, %dma_wait3A_46] : memref<10240x128xf32, #tpu.memory_space<vmem_shared>> -> memref<80x128xf32, #tpu.memory_space<vmem_shared>>
      tpu.wait_dma2 semaphore(%run_scoped3A : memref<!tpu.dma_semaphore, #tpu.memory_space<semaphore_mem>>) src(%arg12 : memref<80x128xf32, #tpu.memory_space<vmem>>) dst(%dma_wait3A_47 : memref<80x128xf32, #tpu.memory_space<vmem_shared>>)
      tpu.yield
    }) : () -> ()
    %add3A_15 = arith.constant 320 : i32
    %add3A_16 = arith.addi %mul3A_7, %add3A_15 : i32
    "tpu.region"() ({
      %run_scoped3A = tpu.sem_alloc : memref<!tpu.dma_semaphore, #tpu.memory_space<semaphore_mem>>
      %dma_start3A = arith.constant 0 : i32
      %dma_start3A_42 = tpu.memref_slice %arg16[%add3A_16, %dma_start3A] : memref<10240x128xf32, #tpu.memory_space<vmem_shared>> -> memref<80x128xf32, #tpu.memory_space<vmem_shared>>
      %dma_start3A_43 = arith.constant 0 : i32
      %dma_start3A_44 = tpu.memref_slice %arg16[%add3A_16, %dma_start3A_43] : memref<10240x128xf32, #tpu.memory_space<vmem_shared>> -> memref<80x128xf32, #tpu.memory_space<vmem_shared>>
      tpu.enqueue_dma source(%arg12 : memref<80x128xf32, #tpu.memory_space<vmem>>) target(%dma_start3A_44 : memref<80x128xf32, #tpu.memory_space<vmem_shared>>) target_semaphore(%run_scoped3A : memref<!tpu.dma_semaphore, #tpu.memory_space<semaphore_mem>>)
      %dma_wait3A = arith.constant 0 : i32
      %dma_wait3A_45 = tpu.memref_slice %arg16[%add3A_16, %dma_wait3A] : memref<10240x128xf32, #tpu.memory_space<vmem_shared>> -> memref<80x128xf32, #tpu.memory_space<vmem_shared>>
      %dma_wait3A_46 = arith.constant 0 : i32
      %dma_wait3A_47 = tpu.memref_slice %arg16[%add3A_16, %dma_wait3A_46] : memref<10240x128xf32, #tpu.memory_space<vmem_shared>> -> memref<80x128xf32, #tpu.memory_space<vmem_shared>>
      tpu.wait_dma2 semaphore(%run_scoped3A : memref<!tpu.dma_semaphore, #tpu.memory_space<semaphore_mem>>) src(%arg12 : memref<80x128xf32, #tpu.memory_space<vmem>>) dst(%dma_wait3A_47 : memref<80x128xf32, #tpu.memory_space<vmem_shared>>)
      tpu.yield
    }) : () -> ()
    %add3A_17 = arith.constant 400 : i32
    %add3A_18 = arith.addi %mul3A_7, %add3A_17 : i32
    "tpu.region"() ({
      %run_scoped3A = tpu.sem_alloc : memref<!tpu.dma_semaphore, #tpu.memory_space<semaphore_mem>>
      %dma_start3A = arith.constant 0 : i32
      %dma_start3A_42 = tpu.memref_slice %arg16[%add3A_18, %dma_start3A] : memref<10240x128xf32, #tpu.memory_space<vmem_shared>> -> memref<80x128xf32, #tpu.memory_space<vmem_shared>>
      %dma_start3A_43 = arith.constant 0 : i32
      %dma_start3A_44 = tpu.memref_slice %arg16[%add3A_18, %dma_start3A_43] : memref<10240x128xf32, #tpu.memory_space<vmem_shared>> -> memref<80x128xf32, #tpu.memory_space<vmem_shared>>
      tpu.enqueue_dma source(%arg12 : memref<80x128xf32, #tpu.memory_space<vmem>>) target(%dma_start3A_44 : memref<80x128xf32, #tpu.memory_space<vmem_shared>>) target_semaphore(%run_scoped3A : memref<!tpu.dma_semaphore, #tpu.memory_space<semaphore_mem>>)
      %dma_wait3A = arith.constant 0 : i32
      %dma_wait3A_45 = tpu.memref_slice %arg16[%add3A_18, %dma_wait3A] : memref<10240x128xf32, #tpu.memory_space<vmem_shared>> -> memref<80x128xf32, #tpu.memory_space<vmem_shared>>
      %dma_wait3A_46 = arith.constant 0 : i32
      %dma_wait3A_47 = tpu.memref_slice %arg16[%add3A_18, %dma_wait3A_46] : memref<10240x128xf32, #tpu.memory_space<vmem_shared>> -> memref<80x128xf32, #tpu.memory_space<vmem_shared>>
      tpu.wait_dma2 semaphore(%run_scoped3A : memref<!tpu.dma_semaphore, #tpu.memory_space<semaphore_mem>>) src(%arg12 : memref<80x128xf32, #tpu.memory_space<vmem>>) dst(%dma_wait3A_47 : memref<80x128xf32, #tpu.memory_space<vmem_shared>>)
      tpu.yield
    }) : () -> ()
    %add3A_19 = arith.constant 480 : i32
    %add3A_20 = arith.addi %mul3A_7, %add3A_19 : i32
    "tpu.region"() ({
      %run_scoped3A = tpu.sem_alloc : memref<!tpu.dma_semaphore, #tpu.memory_space<semaphore_mem>>
      %dma_start3A = arith.constant 0 : i32
      %dma_start3A_42 = tpu.memref_slice %arg16[%add3A_20, %dma_start3A] : memref<10240x128xf32, #tpu.memory_space<vmem_shared>> -> memref<80x128xf32, #tpu.memory_space<vmem_shared>>
      %dma_start3A_43 = arith.constant 0 : i32
      %dma_start3A_44 = tpu.memref_slice %arg16[%add3A_20, %dma_start3A_43] : memref<10240x128xf32, #tpu.memory_space<vmem_shared>> -> memref<80x128xf32, #tpu.memory_space<vmem_shared>>
      tpu.enqueue_dma source(%arg12 : memref<80x128xf32, #tpu.memory_space<vmem>>) target(%dma_start3A_44 : memref<80x128xf32, #tpu.memory_space<vmem_shared>>) target_semaphore(%run_scoped3A : memref<!tpu.dma_semaphore, #tpu.memory_space<semaphore_mem>>)
      %dma_wait3A = arith.constant 0 : i32
      %dma_wait3A_45 = tpu.memref_slice %arg16[%add3A_20, %dma_wait3A] : memref<10240x128xf32, #tpu.memory_space<vmem_shared>> -> memref<80x128xf32, #tpu.memory_space<vmem_shared>>
      %dma_wait3A_46 = arith.constant 0 : i32
      %dma_wait3A_47 = tpu.memref_slice %arg16[%add3A_20, %dma_wait3A_46] : memref<10240x128xf32, #tpu.memory_space<vmem_shared>> -> memref<80x128xf32, #tpu.memory_space<vmem_shared>>
      tpu.wait_dma2 semaphore(%run_scoped3A : memref<!tpu.dma_semaphore, #tpu.memory_space<semaphore_mem>>) src(%arg12 : memref<80x128xf32, #tpu.memory_space<vmem>>) dst(%dma_wait3A_47 : memref<80x128xf32, #tpu.memory_space<vmem_shared>>)
      tpu.yield
    }) : () -> ()
    %add3A_21 = arith.constant 560 : i32
    %add3A_22 = arith.addi %mul3A_7, %add3A_21 : i32
    "tpu.region"() ({
      %run_scoped3A = tpu.sem_alloc : memref<!tpu.dma_semaphore, #tpu.memory_space<semaphore_mem>>
      %dma_start3A = arith.constant 0 : i32
      %dma_start3A_42 = tpu.memref_slice %arg16[%add3A_22, %dma_start3A] : memref<10240x128xf32, #tpu.memory_space<vmem_shared>> -> memref<80x128xf32, #tpu.memory_space<vmem_shared>>
      %dma_start3A_43 = arith.constant 0 : i32
      %dma_start3A_44 = tpu.memref_slice %arg16[%add3A_22, %dma_start3A_43] : memref<10240x128xf32, #tpu.memory_space<vmem_shared>> -> memref<80x128xf32, #tpu.memory_space<vmem_shared>>
      tpu.enqueue_dma source(%arg12 : memref<80x128xf32, #tpu.memory_space<vmem>>) target(%dma_start3A_44 : memref<80x128xf32, #tpu.memory_space<vmem_shared>>) target_semaphore(%run_scoped3A : memref<!tpu.dma_semaphore, #tpu.memory_space<semaphore_mem>>)
      %dma_wait3A = arith.constant 0 : i32
      %dma_wait3A_45 = tpu.memref_slice %arg16[%add3A_22, %dma_wait3A] : memref<10240x128xf32, #tpu.memory_space<vmem_shared>> -> memref<80x128xf32, #tpu.memory_space<vmem_shared>>
      %dma_wait3A_46 = arith.constant 0 : i32
      %dma_wait3A_47 = tpu.memref_slice %arg16[%add3A_22, %dma_wait3A_46] : memref<10240x128xf32, #tpu.memory_space<vmem_shared>> -> memref<80x128xf32, #tpu.memory_space<vmem_shared>>
      tpu.wait_dma2 semaphore(%run_scoped3A : memref<!tpu.dma_semaphore, #tpu.memory_space<semaphore_mem>>) src(%arg12 : memref<80x128xf32, #tpu.memory_space<vmem>>) dst(%dma_wait3A_47 : memref<80x128xf32, #tpu.memory_space<vmem_shared>>)
      tpu.yield
    }) : () -> ()
    %mul3A_23 = arith.constant 40 : i32
    %mul3A_24 = arith.muli %arg1, %mul3A_23 : i32
    "tpu.region"() ({
      %run_scoped3A = tpu.sem_alloc : memref<!tpu.dma_semaphore, #tpu.memory_space<semaphore_mem>>
      %dma_start3A = arith.constant 0 : i32
      %dma_start3A_42 = arith.constant 0 : i32
      %dma_start3A_43 = tpu.memref_slice %arg14[%dma_start3A, %dma_start3A_42] : memref<80x128xf32, #tpu.memory_space<vmem>> -> memref<40x128xf32, #tpu.memory_space<vmem>>
      %dma_start3A_44 = arith.constant 0 : i32
      %dma_start3A_45 = tpu.memref_slice %arg17[%mul3A_24, %dma_start3A_44] : memref<640x128xf32, #tpu.memory_space<vmem_shared>> -> memref<40x128xf32, #tpu.memory_space<vmem_shared>>
      %dma_start3A_46 = arith.constant 0 : i32
      %dma_start3A_47 = tpu.memref_slice %arg17[%mul3A_24, %dma_start3A_46] : memref<640x128xf32, #tpu.memory_space<vmem_shared>> -> memref<40x128xf32, #tpu.memory_space<vmem_shared>>
      %dma_start3A_48 = arith.constant 0 : i32
      %dma_start3A_49 = arith.constant 0 : i32
      %dma_start3A_50 = tpu.memref_slice %arg14[%dma_start3A_48, %dma_start3A_49] : memref<80x128xf32, #tpu.memory_space<vmem>> -> memref<40x128xf32, #tpu.memory_space<vmem>>
      tpu.enqueue_dma source(%dma_start3A_50 : memref<40x128xf32, #tpu.memory_space<vmem>>) target(%dma_start3A_47 : memref<40x128xf32, #tpu.memory_space<vmem_shared>>) target_semaphore(%run_scoped3A : memref<!tpu.dma_semaphore, #tpu.memory_space<semaphore_mem>>)
      %dma_wait3A = arith.constant 0 : i32
      %dma_wait3A_51 = arith.constant 0 : i32
      %dma_wait3A_52 = tpu.memref_slice %arg14[%dma_wait3A, %dma_wait3A_51] : memref<80x128xf32, #tpu.memory_space<vmem>> -> memref<40x128xf32, #tpu.memory_space<vmem>>
      %dma_wait3A_53 = arith.constant 0 : i32
      %dma_wait3A_54 = tpu.memref_slice %arg17[%mul3A_24, %dma_wait3A_53] : memref<640x128xf32, #tpu.memory_space<vmem_shared>> -> memref<40x128xf32, #tpu.memory_space<vmem_shared>>
      %dma_wait3A_55 = arith.constant 0 : i32
      %dma_wait3A_56 = tpu.memref_slice %arg17[%mul3A_24, %dma_wait3A_55] : memref<640x128xf32, #tpu.memory_space<vmem_shared>> -> memref<40x128xf32, #tpu.memory_space<vmem_shared>>
      %dma_wait3A_57 = arith.constant 0 : i32
      %dma_wait3A_58 = arith.constant 0 : i32
      %dma_wait3A_59 = tpu.memref_slice %arg14[%dma_wait3A_57, %dma_wait3A_58] : memref<80x128xf32, #tpu.memory_space<vmem>> -> memref<40x128xf32, #tpu.memory_space<vmem>>
      tpu.wait_dma2 semaphore(%run_scoped3A : memref<!tpu.dma_semaphore, #tpu.memory_space<semaphore_mem>>) src(%dma_wait3A_59 : memref<40x128xf32, #tpu.memory_space<vmem>>) dst(%dma_wait3A_56 : memref<40x128xf32, #tpu.memory_space<vmem_shared>>)
      tpu.yield
    }) : () -> ()
    %barrier3A = arith.constant 0 : index
    tpu.barrier barrier_id(%barrier3A)
    %mul3A_25 = arith.constant 16 : i32
    %mul3A_26 = arith.muli %arg0, %mul3A_25 : i32
    %add3A_27 = arith.addi %mul3A_26, %arg1 : i32
    %mul3A_28 = arith.constant 10000 : i32
    %mul3A_29 = arith.muli %add3A_27, %mul3A_28 : i32
    %scan3A_30 = arith.constant 0 : i32
    %scan3A_31 = arith.constant 0 : i32
    %scan3A_32 = arith.constant 125 : i32
    %scan3A_33 = arith.addi %scan3A_31, %scan3A_32 : i32
    %scan3A_34 = arith.constant 1 : i32
    %scan3A_35 = scf.for %scan3A_42 = %scan3A_31 to %scan3A_33 step %scan3A_34 iter_args(%scan3A_43 = %scan3A_30) -> (i32)  : i32 {
      %mul3A_44 = arith.constant 80 : i32
      %mul3A_45 = arith.muli %scan3A_42, %mul3A_44 : i32
      %add3A_46 = arith.addi %mul3A_29, %mul3A_45 : i32
      "tpu.region"() ({
        %run_scoped3A = tpu.sem_alloc : memref<!tpu.dma_semaphore, #tpu.memory_space<semaphore_mem>>
        %dma_start3A_399 = tpu.memref_slice %arg5[%add3A_46] : memref<320000xi32, #tpu.memory_space<hbm>> -> memref<80xi32, #tpu.memory_space<hbm>>
        %dma_start3A_400 = tpu.memref_slice %arg5[%add3A_46] : memref<320000xi32, #tpu.memory_space<hbm>> -> memref<80xi32, #tpu.memory_space<hbm>>
        tpu.enqueue_dma source(%dma_start3A_400 : memref<80xi32, #tpu.memory_space<hbm>>) target(%arg9 : memref<80xi32, #tpu.memory_space<vmem>>) target_semaphore(%run_scoped3A : memref<!tpu.dma_semaphore, #tpu.memory_space<semaphore_mem>>)
        %dma_wait3A_401 = tpu.memref_slice %arg5[%add3A_46] : memref<320000xi32, #tpu.memory_space<hbm>> -> memref<80xi32, #tpu.memory_space<hbm>>
        %dma_wait3A_402 = tpu.memref_slice %arg5[%add3A_46] : memref<320000xi32, #tpu.memory_space<hbm>> -> memref<80xi32, #tpu.memory_space<hbm>>
        tpu.wait_dma2 semaphore(%run_scoped3A : memref<!tpu.dma_semaphore, #tpu.memory_space<semaphore_mem>>) src(%dma_wait3A_402 : memref<80xi32, #tpu.memory_space<hbm>>) dst(%arg9 : memref<80xi32, #tpu.memory_space<vmem>>)
        tpu.yield
      }) : () -> ()
      "tpu.region"() ({
        %run_scoped3A = tpu.sem_alloc : memref<!tpu.dma_semaphore, #tpu.memory_space<semaphore_mem>>
        %dma_start3A_399 = tpu.memref_slice %arg6[%add3A_46] : memref<320000xi32, #tpu.memory_space<hbm>> -> memref<80xi32, #tpu.memory_space<hbm>>
        %dma_start3A_400 = tpu.memref_slice %arg6[%add3A_46] : memref<320000xi32, #tpu.memory_space<hbm>> -> memref<80xi32, #tpu.memory_space<hbm>>
        tpu.enqueue_dma source(%dma_start3A_400 : memref<80xi32, #tpu.memory_space<hbm>>) target(%arg10 : memref<80xi32, #tpu.memory_space<vmem>>) target_semaphore(%run_scoped3A : memref<!tpu.dma_semaphore, #tpu.memory_space<semaphore_mem>>)
        %dma_wait3A_401 = tpu.memref_slice %arg6[%add3A_46] : memref<320000xi32, #tpu.memory_space<hbm>> -> memref<80xi32, #tpu.memory_space<hbm>>
        %dma_wait3A_402 = tpu.memref_slice %arg6[%add3A_46] : memref<320000xi32, #tpu.memory_space<hbm>> -> memref<80xi32, #tpu.memory_space<hbm>>
        tpu.wait_dma2 semaphore(%run_scoped3A : memref<!tpu.dma_semaphore, #tpu.memory_space<semaphore_mem>>) src(%dma_wait3A_402 : memref<80xi32, #tpu.memory_space<hbm>>) dst(%arg10 : memref<80xi32, #tpu.memory_space<vmem>>)
        tpu.yield
      }) : () -> ()
      %get3A = arith.constant 0 : index
      %get3A_47 = tpu.vector_load %arg9[%get3A] {strides = array<i32>} : memref<80xi32, #tpu.memory_space<vmem>>, vector<16xi32>,
      %shift_right_arithmetic3A = arith.constant 4 : i32
      %shift_right_arithmetic3A_48 = vector.broadcast %shift_right_arithmetic3A : i32 to vector<16xi32>
      %shift_right_arithmetic3A_49 = arith.shrsi %get3A_47, %shift_right_arithmetic3A_48 : vector<16xi32>
      %swap3A = arith.constant 0 : index
      %swap3A_50 = tpu.vector_load %arg11[%swap3A] {strides = array<i32>} : memref<80xi32, #tpu.memory_space<vmem>>, vector<16xi32>,
      tpu.vector_store %arg11[%swap3A], %shift_right_arithmetic3A_49 {strides = array<i32>} : memref<80xi32, #tpu.memory_space<vmem>>, vector<16xi32>,
      %get3A_51 = arith.constant 16 : index
      %get3A_52 = tpu.vector_load %arg9[%get3A_51] {strides = array<i32>} : memref<80xi32, #tpu.memory_space<vmem>>, vector<16xi32>,
      %shift_right_arithmetic3A_53 = arith.constant 4 : i32
      %shift_right_arithmetic3A_54 = vector.broadcast %shift_right_arithmetic3A_53 : i32 to vector<16xi32>
      %shift_right_arithmetic3A_55 = arith.shrsi %get3A_52, %shift_right_arithmetic3A_54 : vector<16xi32>
      %swap3A_56 = arith.constant 16 : index
      %swap3A_57 = tpu.vector_load %arg11[%swap3A_56] {strides = array<i32>} : memref<80xi32, #tpu.memory_space<vmem>>, vector<16xi32>,
      tpu.vector_store %arg11[%swap3A_56], %shift_right_arithmetic3A_55 {strides = array<i32>} : memref<80xi32, #tpu.memory_space<vmem>>, vector<16xi32>,
      %get3A_58 = arith.constant 32 : index
      %get3A_59 = tpu.vector_load %arg9[%get3A_58] {strides = array<i32>} : memref<80xi32, #tpu.memory_space<vmem>>, vector<16xi32>,
      %shift_right_arithmetic3A_60 = arith.constant 4 : i32
      %shift_right_arithmetic3A_61 = vector.broadcast %shift_right_arithmetic3A_60 : i32 to vector<16xi32>
      %shift_right_arithmetic3A_62 = arith.shrsi %get3A_59, %shift_right_arithmetic3A_61 : vector<16xi32>
      %swap3A_63 = arith.constant 32 : index
      %swap3A_64 = tpu.vector_load %arg11[%swap3A_63] {strides = array<i32>} : memref<80xi32, #tpu.memory_space<vmem>>, vector<16xi32>,
      tpu.vector_store %arg11[%swap3A_63], %shift_right_arithmetic3A_62 {strides = array<i32>} : memref<80xi32, #tpu.memory_space<vmem>>, vector<16xi32>,
      %get3A_65 = arith.constant 48 : index
      %get3A_66 = tpu.vector_load %arg9[%get3A_65] {strides = array<i32>} : memref<80xi32, #tpu.memory_space<vmem>>, vector<16xi32>,
      %shift_right_arithmetic3A_67 = arith.constant 4 : i32
      %shift_right_arithmetic3A_68 = vector.broadcast %shift_right_arithmetic3A_67 : i32 to vector<16xi32>
      %shift_right_arithmetic3A_69 = arith.shrsi %get3A_66, %shift_right_arithmetic3A_68 : vector<16xi32>
      %swap3A_70 = arith.constant 48 : index
      %swap3A_71 = tpu.vector_load %arg11[%swap3A_70] {strides = array<i32>} : memref<80xi32, #tpu.memory_space<vmem>>, vector<16xi32>,
      tpu.vector_store %arg11[%swap3A_70], %shift_right_arithmetic3A_69 {strides = array<i32>} : memref<80xi32, #tpu.memory_space<vmem>>, vector<16xi32>,
      %get3A_72 = arith.constant 64 : index
      %get3A_73 = tpu.vector_load %arg9[%get3A_72] {strides = array<i32>} : memref<80xi32, #tpu.memory_space<vmem>>, vector<16xi32>,
      %shift_right_arithmetic3A_74 = arith.constant 4 : i32
      %shift_right_arithmetic3A_75 = vector.broadcast %shift_right_arithmetic3A_74 : i32 to vector<16xi32>
      %shift_right_arithmetic3A_76 = arith.shrsi %get3A_73, %shift_right_arithmetic3A_75 : vector<16xi32>
      %swap3A_77 = arith.constant 64 : index
      %swap3A_78 = tpu.vector_load %arg11[%swap3A_77] {strides = array<i32>} : memref<80xi32, #tpu.memory_space<vmem>>, vector<16xi32>,
      tpu.vector_store %arg11[%swap3A_77], %shift_right_arithmetic3A_76 {strides = array<i32>} : memref<80xi32, #tpu.memory_space<vmem>>, vector<16xi32>,
      %dma_start3A = arith.constant 0 : i32
      %dma_start3A_79 = arith.constant 0 : i32
      %dma_start3A_80 = tpu.memref_slice %arg2[%dma_start3A, %dma_start3A_79] : memref<10000x128xf32, #tpu.memory_space<hbm>> -> memref<10000x128xf32, #tpu.memory_space<hbm>>
      tpu.enqueue_indirect_dma source(%dma_start3A_80 : memref<10000x128xf32, #tpu.memory_space<hbm>>) target(%arg12 : memref<80x128xf32, #tpu.memory_space<vmem>>) offsets(%arg9 : memref<80xi32, #tpu.memory_space<vmem>>) semaphore(%arg18 : memref<!tpu.dma_semaphore, #tpu.memory_space<semaphore_mem>>)
      %dma_start3A_81 = arith.constant 0 : i32
      %dma_start3A_82 = arith.constant 0 : i32
      %dma_start3A_83 = tpu.memref_slice %arg3[%dma_start3A_81, %dma_start3A_82] : memref<10000x128xf32, #tpu.memory_space<hbm>> -> memref<10000x128xf32, #tpu.memory_space<hbm>>
      tpu.enqueue_indirect_dma source(%dma_start3A_83 : memref<10000x128xf32, #tpu.memory_space<hbm>>) target(%arg13 : memref<80x128xf32, #tpu.memory_space<vmem>>) offsets(%arg10 : memref<80xi32, #tpu.memory_space<vmem>>) semaphore(%arg19 : memref<!tpu.dma_semaphore, #tpu.memory_space<semaphore_mem>>)
      %dma_wait3A = arith.constant 0 : i32
      %dma_wait3A_84 = arith.constant 0 : i32
      %dma_wait3A_85 = tpu.memref_slice %arg2[%dma_wait3A, %dma_wait3A_84] : memref<10000x128xf32, #tpu.memory_space<hbm>> -> memref<10000x128xf32, #tpu.memory_space<hbm>>
      tpu.wait_indirect_dma semaphore(%arg18 : memref<!tpu.dma_semaphore, #tpu.memory_space<semaphore_mem>>) src(%dma_wait3A_85 : memref<10000x128xf32, #tpu.memory_space<hbm>>) dst(%arg12 : memref<80x128xf32, #tpu.memory_space<vmem>>)
      %dma_wait3A_86 = arith.constant 0 : i32
      %dma_wait3A_87 = arith.constant 0 : i32
      %dma_wait3A_88 = tpu.memref_slice %arg3[%dma_wait3A_86, %dma_wait3A_87] : memref<10000x128xf32, #tpu.memory_space<hbm>> -> memref<10000x128xf32, #tpu.memory_space<hbm>>
      tpu.wait_indirect_dma semaphore(%arg19 : memref<!tpu.dma_semaphore, #tpu.memory_space<semaphore_mem>>) src(%dma_wait3A_88 : memref<10000x128xf32, #tpu.memory_space<hbm>>) dst(%arg13 : memref<80x128xf32, #tpu.memory_space<vmem>>)
      %iota3A = tpu.iota {dimensions = array<i32: 0>} : vector<16xi32>
      %broadcast_in_dim3A_89 = arith.constant 15 : i32
      %broadcast_in_dim3A_90 = vector.broadcast %broadcast_in_dim3A_89 : i32 to vector<16xi32>
      %scan3A_91 = arith.constant 0 : i32
      %scan3A_92 = arith.constant 0 : i32
      %scan3A_93 = arith.constant 80 : i32
      %scan3A_94 = arith.addi %scan3A_92, %scan3A_93 : i32
      %scan3A_95 = arith.constant 1 : i32
      %scan3A_96 = scf.for %scan3A_399 = %scan3A_92 to %scan3A_94 step %scan3A_95 iter_args(%scan3A_400 = %scan3A_91) -> (i32)  : i32 {
        %get3A_401 = arith.index_cast %scan3A_399 : i32 to index
        %get3A_402 = arith.constant 0 : index
        %get3A_403 = tpu.vector_load %arg12[%get3A_401, %get3A_402] {strides = array<i32>} : memref<80x128xf32, #tpu.memory_space<vmem>>, vector<16xf32>,
        %get3A_404 = arith.index_cast %scan3A_399 : i32 to index
        %get3A_405 = arith.constant 0 : index
        %get3A_406 = tpu.vector_load %arg13[%get3A_404, %get3A_405] {strides = array<i32>} : memref<80x128xf32, #tpu.memory_space<vmem>>, vector<16xf32>,
        %mul3A_407 = arith.mulf %get3A_403, %get3A_406 : vector<16xf32>
        %get3A_408 = arith.index_cast %scan3A_399 : i32 to index
        %get3A_409 = arith.constant 16 : index
        %get3A_410 = tpu.vector_load %arg12[%get3A_408, %get3A_409] {strides = array<i32>} : memref<80x128xf32, #tpu.memory_space<vmem>>, vector<16xf32>,
        %get3A_411 = arith.index_cast %scan3A_399 : i32 to index
        %get3A_412 = arith.constant 16 : index
        %get3A_413 = tpu.vector_load %arg13[%get3A_411, %get3A_412] {strides = array<i32>} : memref<80x128xf32, #tpu.memory_space<vmem>>, vector<16xf32>,
        %mul3A_414 = arith.mulf %get3A_410, %get3A_413 : vector<16xf32>
        %add3A_415 = arith.addf %mul3A_407, %mul3A_414 : vector<16xf32>
        %broadcast_in_dim3A_416 = arith.constant true
        %broadcast_in_dim3A_417 = vector.broadcast %broadcast_in_dim3A_416 : i1 to vector<16xi1>
        %masked_cumsum3A = tpu.scan <sum>, %add3A_415 masked %broadcast_in_dim3A_417 : vector<16xf32>, vector<16xi1> -> vector<16xf32>
        %lt3A = arith.constant 0 : i32
        %lt3A_418 = vector.broadcast %lt3A : i32 to vector<16xi32>
        %lt3A_419 = arith.cmpi slt, %broadcast_in_dim3A_90, %lt3A_418 : vector<16xi32>
        %add3A_420 = arith.constant 16 : i32
        %add3A_421 = vector.broadcast %add3A_420 : i32 to vector<16xi32>
        %add3A_422 = arith.addi %broadcast_in_dim3A_90, %add3A_421 : vector<16xi32>
        %select_n3A = arith.select %lt3A_419, %add3A_422, %broadcast_in_dim3A_90 : vector<16xi1>, vector<16xi32>
        %broadcast_in_dim3A_423 = vector.shape_cast %select_n3A : vector<16xi32> to vector<16x1xi32>
        %gather3A_424 = vector.shape_cast %broadcast_in_dim3A_423 : vector<16x1xi32> to vector<16xi32>
        %gather3A_425 = tpu.dynamic_gather %masked_cumsum3A[%gather3A_424] in [0] : vector<16xf32>, vector<16xi32> -> vector<16xf32>
        %min3A = arith.constant 6.000000e+01 : f32
        %min3A_426 = vector.broadcast %min3A : f32 to vector<16xf32>
        %min3A_427 = arith.minimumf %gather3A_425, %min3A_426 : vector<16xf32>
        %exp3A = math.exp %min3A_427 : vector<16xf32>
        %eq3A = arith.constant 0 : i32
        %eq3A_428 = vector.broadcast %eq3A : i32 to vector<16xi32>
        %eq3A_429 = arith.cmpi eq, %iota3A, %eq3A_428 : vector<16xi32>
        %select_n3A_430 = arith.select %eq3A_429, %exp3A, %broadcast_in_dim3A_0 : vector<16xi1>, vector<16xf32>
        %get3A_431 = arith.index_cast %scan3A_399 : i32 to index
        %get3A_432 = arith.constant 32 : index
        %get3A_433 = tpu.vector_load %arg12[%get3A_431, %get3A_432] {strides = array<i32>} : memref<80x128xf32, #tpu.memory_space<vmem>>, vector<16xf32>,
        %get3A_434 = arith.index_cast %scan3A_399 : i32 to index
        %get3A_435 = arith.constant 32 : index
        %get3A_436 = tpu.vector_load %arg13[%get3A_434, %get3A_435] {strides = array<i32>} : memref<80x128xf32, #tpu.memory_space<vmem>>, vector<16xf32>,
        %mul3A_437 = arith.mulf %get3A_433, %get3A_436 : vector<16xf32>
        %get3A_438 = arith.index_cast %scan3A_399 : i32 to index
        %get3A_439 = arith.constant 48 : index
        %get3A_440 = tpu.vector_load %arg12[%get3A_438, %get3A_439] {strides = array<i32>} : memref<80x128xf32, #tpu.memory_space<vmem>>, vector<16xf32>,
        %get3A_441 = arith.index_cast %scan3A_399 : i32 to index
        %get3A_442 = arith.constant 48 : index
        %get3A_443 = tpu.vector_load %arg13[%get3A_441, %get3A_442] {strides = array<i32>} : memref<80x128xf32, #tpu.memory_space<vmem>>, vector<16xf32>,
        %mul3A_444 = arith.mulf %get3A_440, %get3A_443 : vector<16xf32>
        %add3A_445 = arith.addf %mul3A_437, %mul3A_444 : vector<16xf32>
        %broadcast_in_dim3A_446 = arith.constant true
        %broadcast_in_dim3A_447 = vector.broadcast %broadcast_in_dim3A_446 : i1 to vector<16xi1>
        %masked_cumsum3A_448 = tpu.scan <sum>, %add3A_445 masked %broadcast_in_dim3A_447 : vector<16xf32>, vector<16xi1> -> vector<16xf32>
        %lt3A_449 = arith.constant 0 : i32
        %lt3A_450 = vector.broadcast %lt3A_449 : i32 to vector<16xi32>
        %lt3A_451 = arith.cmpi slt, %broadcast_in_dim3A_90, %lt3A_450 : vector<16xi32>
        %add3A_452 = arith.constant 16 : i32
        %add3A_453 = vector.broadcast %add3A_452 : i32 to vector<16xi32>
        %add3A_454 = arith.addi %broadcast_in_dim3A_90, %add3A_453 : vector<16xi32>
        %select_n3A_455 = arith.select %lt3A_451, %add3A_454, %broadcast_in_dim3A_90 : vector<16xi1>, vector<16xi32>
        %broadcast_in_dim3A_456 = vector.shape_cast %select_n3A_455 : vector<16xi32> to vector<16x1xi32>
        %gather3A_457 = vector.shape_cast %broadcast_in_dim3A_456 : vector<16x1xi32> to vector<16xi32>
        %gather3A_458 = tpu.dynamic_gather %masked_cumsum3A_448[%gather3A_457] in [0] : vector<16xf32>, vector<16xi32> -> vector<16xf32>
        %min3A_459 = arith.constant 6.000000e+01 : f32
        %min3A_460 = vector.broadcast %min3A_459 : f32 to vector<16xf32>
        %min3A_461 = arith.minimumf %gather3A_458, %min3A_460 : vector<16xf32>
        %exp3A_462 = math.exp %min3A_461 : vector<16xf32>
        %eq3A_463 = arith.constant 1 : i32
        %eq3A_464 = vector.broadcast %eq3A_463 : i32 to vector<16xi32>
        %eq3A_465 = arith.cmpi eq, %iota3A, %eq3A_464 : vector<16xi32>
        %select_n3A_466 = arith.select %eq3A_465, %exp3A_462, %select_n3A_430 : vector<16xi1>, vector<16xf32>
        %get3A_467 = arith.index_cast %scan3A_399 : i32 to index
        %get3A_468 = arith.constant 64 : index
        %get3A_469 = tpu.vector_load %arg12[%get3A_467, %get3A_468] {strides = array<i32>} : memref<80x128xf32, #tpu.memory_space<vmem>>, vector<16xf32>,
        %get3A_470 = arith.index_cast %scan3A_399 : i32 to index
        %get3A_471 = arith.constant 64 : index
        %get3A_472 = tpu.vector_load %arg13[%get3A_470, %get3A_471] {strides = array<i32>} : memref<80x128xf32, #tpu.memory_space<vmem>>, vector<16xf32>,
        %mul3A_473 = arith.mulf %get3A_469, %get3A_472 : vector<16xf32>
        %get3A_474 = arith.index_cast %scan3A_399 : i32 to index
        %get3A_475 = arith.constant 80 : index
        %get3A_476 = tpu.vector_load %arg12[%get3A_474, %get3A_475] {strides = array<i32>} : memref<80x128xf32, #tpu.memory_space<vmem>>, vector<16xf32>,
        %get3A_477 = arith.index_cast %scan3A_399 : i32 to index
        %get3A_478 = arith.constant 80 : index
        %get3A_479 = tpu.vector_load %arg13[%get3A_477, %get3A_478] {strides = array<i32>} : memref<80x128xf32, #tpu.memory_space<vmem>>, vector<16xf32>,
        %mul3A_480 = arith.mulf %get3A_476, %get3A_479 : vector<16xf32>
        %add3A_481 = arith.addf %mul3A_473, %mul3A_480 : vector<16xf32>
        %broadcast_in_dim3A_482 = arith.constant true
        %broadcast_in_dim3A_483 = vector.broadcast %broadcast_in_dim3A_482 : i1 to vector<16xi1>
        %masked_cumsum3A_484 = tpu.scan <sum>, %add3A_481 masked %broadcast_in_dim3A_483 : vector<16xf32>, vector<16xi1> -> vector<16xf32>
        %lt3A_485 = arith.constant 0 : i32
        %lt3A_486 = vector.broadcast %lt3A_485 : i32 to vector<16xi32>
        %lt3A_487 = arith.cmpi slt, %broadcast_in_dim3A_90, %lt3A_486 : vector<16xi32>
        %add3A_488 = arith.constant 16 : i32
        %add3A_489 = vector.broadcast %add3A_488 : i32 to vector<16xi32>
        %add3A_490 = arith.addi %broadcast_in_dim3A_90, %add3A_489 : vector<16xi32>
        %select_n3A_491 = arith.select %lt3A_487, %add3A_490, %broadcast_in_dim3A_90 : vector<16xi1>, vector<16xi32>
        %broadcast_in_dim3A_492 = vector.shape_cast %select_n3A_491 : vector<16xi32> to vector<16x1xi32>
        %gather3A_493 = vector.shape_cast %broadcast_in_dim3A_492 : vector<16x1xi32> to vector<16xi32>
        %gather3A_494 = tpu.dynamic_gather %masked_cumsum3A_484[%gather3A_493] in [0] : vector<16xf32>, vector<16xi32> -> vector<16xf32>
        %min3A_495 = arith.constant 6.000000e+01 : f32
        %min3A_496 = vector.broadcast %min3A_495 : f32 to vector<16xf32>
        %min3A_497 = arith.minimumf %gather3A_494, %min3A_496 : vector<16xf32>
        %exp3A_498 = math.exp %min3A_497 : vector<16xf32>
        %eq3A_499 = arith.constant 2 : i32
        %eq3A_500 = vector.broadcast %eq3A_499 : i32 to vector<16xi32>
        %eq3A_501 = arith.cmpi eq, %iota3A, %eq3A_500 : vector<16xi32>
        %select_n3A_502 = arith.select %eq3A_501, %exp3A_498, %select_n3A_466 : vector<16xi1>, vector<16xf32>
        %get3A_503 = arith.index_cast %scan3A_399 : i32 to index
        %get3A_504 = arith.constant 96 : index
        %get3A_505 = tpu.vector_load %arg12[%get3A_503, %get3A_504] {strides = array<i32>} : memref<80x128xf32, #tpu.memory_space<vmem>>, vector<16xf32>,
        %get3A_506 = arith.index_cast %scan3A_399 : i32 to index
        %get3A_507 = arith.constant 96 : index
        %get3A_508 = tpu.vector_load %arg13[%get3A_506, %get3A_507] {strides = array<i32>} : memref<80x128xf32, #tpu.memory_space<vmem>>, vector<16xf32>,
        %mul3A_509 = arith.mulf %get3A_505, %get3A_508 : vector<16xf32>
        %get3A_510 = arith.index_cast %scan3A_399 : i32 to index
        %get3A_511 = arith.constant 112 : index
        %get3A_512 = tpu.vector_load %arg12[%get3A_510, %get3A_511] {strides = array<i32>} : memref<80x128xf32, #tpu.memory_space<vmem>>, vector<16xf32>,
        %get3A_513 = arith.index_cast %scan3A_399 : i32 to index
        %get3A_514 = arith.constant 112 : index
        %get3A_515 = tpu.vector_load %arg13[%get3A_513, %get3A_514] {strides = array<i32>} : memref<80x128xf32, #tpu.memory_space<vmem>>, vector<16xf32>,
        %mul3A_516 = arith.mulf %get3A_512, %get3A_515 : vector<16xf32>
        %add3A_517 = arith.addf %mul3A_509, %mul3A_516 : vector<16xf32>
        %broadcast_in_dim3A_518 = arith.constant true
        %broadcast_in_dim3A_519 = vector.broadcast %broadcast_in_dim3A_518 : i1 to vector<16xi1>
        %masked_cumsum3A_520 = tpu.scan <sum>, %add3A_517 masked %broadcast_in_dim3A_519 : vector<16xf32>, vector<16xi1> -> vector<16xf32>
        %lt3A_521 = arith.constant 0 : i32
        %lt3A_522 = vector.broadcast %lt3A_521 : i32 to vector<16xi32>
        %lt3A_523 = arith.cmpi slt, %broadcast_in_dim3A_90, %lt3A_522 : vector<16xi32>
        %add3A_524 = arith.constant 16 : i32
        %add3A_525 = vector.broadcast %add3A_524 : i32 to vector<16xi32>
        %add3A_526 = arith.addi %broadcast_in_dim3A_90, %add3A_525 : vector<16xi32>
        %select_n3A_527 = arith.select %lt3A_523, %add3A_526, %broadcast_in_dim3A_90 : vector<16xi1>, vector<16xi32>
        %broadcast_in_dim3A_528 = vector.shape_cast %select_n3A_527 : vector<16xi32> to vector<16x1xi32>
        %gather3A_529 = vector.shape_cast %broadcast_in_dim3A_528 : vector<16x1xi32> to vector<16xi32>
        %gather3A_530 = tpu.dynamic_gather %masked_cumsum3A_520[%gather3A_529] in [0] : vector<16xf32>, vector<16xi32> -> vector<16xf32>
        %min3A_531 = arith.constant 6.000000e+01 : f32
        %min3A_532 = vector.broadcast %min3A_531 : f32 to vector<16xf32>
        %min3A_533 = arith.minimumf %gather3A_530, %min3A_532 : vector<16xf32>
        %exp3A_534 = math.exp %min3A_533 : vector<16xf32>
        %eq3A_535 = arith.constant 3 : i32
        %eq3A_536 = vector.broadcast %eq3A_535 : i32 to vector<16xi32>
        %eq3A_537 = arith.cmpi eq, %iota3A, %eq3A_536 : vector<16xi32>
        %select_n3A_538 = arith.select %eq3A_537, %exp3A_534, %select_n3A_502 : vector<16xi1>, vector<16xf32>
        %swap3A_539 = arith.index_cast %scan3A_399 : i32 to index
        %swap3A_540 = arith.constant 0 : index
        %swap3A_541 = tpu.vector_load %arg15[%swap3A_539, %swap3A_540] {strides = array<i32>} : memref<80x16xf32, #tpu.memory_space<vmem>>, vector<16xf32>,
        tpu.vector_store %arg15[%swap3A_539, %swap3A_540], %select_n3A_538 {strides = array<i32>} : memref<80x16xf32, #tpu.memory_space<vmem>>, vector<16xf32>,
        %scan3A_542 = arith.constant 0 : i32
        scf.yield %scan3A_542 : i32
      }
      %scan3A_97 = arith.constant 80 : i32
      %add3A_98 = arith.constant 0 : i32
      %add3A_99 = vector.broadcast %add3A_98 : i32 to vector<16xi32>
      %add3A_100 = arith.addi %iota3A, %add3A_99 : vector<16xi32>
      %get3A_101 = arith.constant 0 : index
      %get3A_102 = tpu.vector_load %arg9[%get3A_101] {strides = array<i32>} : memref<80xi32, #tpu.memory_space<vmem>>, vector<16xi32>,
      %and3A = arith.constant 15 : i32
      %and3A_103 = vector.broadcast %and3A : i32 to vector<16xi32>
      %and3A_104 = arith.andi %get3A_102, %and3A_103 : vector<16xi32>
      %shift_left3A = arith.constant 3 : i32
      %shift_left3A_105 = vector.broadcast %shift_left3A : i32 to vector<16xi32>
      %shift_left3A_106 = arith.shli %and3A_104, %shift_left3A_105 : vector<16xi32>
      %broadcast_in_dim3A_107 = arith.constant 0 : i32
      %broadcast_in_dim3A_108 = vector.broadcast %broadcast_in_dim3A_107 : i32 to vector<16xi32>
      %gather3A = tpu.vector_load_idx %arg15[%add3A_100, %broadcast_in_dim3A_108] : memref<80x16xf32, #tpu.memory_space<vmem>>[vector<16xi32>, vector<16xi32>], vector<16xf32>,
      %add3A_109 = arith.constant 0 : i32
      %add3A_110 = vector.broadcast %add3A_109 : i32 to vector<16xi32>
      %add3A_111 = arith.addi %shift_left3A_106, %add3A_110 : vector<16xi32>
      tpu.vector_store_idx %arg14[%add3A_100, %add3A_111], %gather3A : memref<80x128xf32, #tpu.memory_space<vmem>>[vector<16xi32>, vector<16xi32>], vector<16xf32>,
      %broadcast_in_dim3A_112 = arith.constant 1 : i32
      %broadcast_in_dim3A_113 = vector.broadcast %broadcast_in_dim3A_112 : i32 to vector<16xi32>
      %gather3A_114 = tpu.vector_load_idx %arg15[%add3A_100, %broadcast_in_dim3A_113] : memref<80x16xf32, #tpu.memory_space<vmem>>[vector<16xi32>, vector<16xi32>], vector<16xf32>,
      %add3A_115 = arith.constant 1 : i32
      %add3A_116 = vector.broadcast %add3A_115 : i32 to vector<16xi32>
      %add3A_117 = arith.addi %shift_left3A_106, %add3A_116 : vector<16xi32>
      tpu.vector_store_idx %arg14[%add3A_100, %add3A_117], %gather3A_114 : memref<80x128xf32, #tpu.memory_space<vmem>>[vector<16xi32>, vector<16xi32>], vector<16xf32>,
      %broadcast_in_dim3A_118 = arith.constant 2 : i32
      %broadcast_in_dim3A_119 = vector.broadcast %broadcast_in_dim3A_118 : i32 to vector<16xi32>
      %gather3A_120 = tpu.vector_load_idx %arg15[%add3A_100, %broadcast_in_dim3A_119] : memref<80x16xf32, #tpu.memory_space<vmem>>[vector<16xi32>, vector<16xi32>], vector<16xf32>,
      %add3A_121 = arith.constant 2 : i32
      %add3A_122 = vector.broadcast %add3A_121 : i32 to vector<16xi32>
      %add3A_123 = arith.addi %shift_left3A_106, %add3A_122 : vector<16xi32>
      tpu.vector_store_idx %arg14[%add3A_100, %add3A_123], %gather3A_120 : memref<80x128xf32, #tpu.memory_space<vmem>>[vector<16xi32>, vector<16xi32>], vector<16xf32>,
      %broadcast_in_dim3A_124 = arith.constant 3 : i32
      %broadcast_in_dim3A_125 = vector.broadcast %broadcast_in_dim3A_124 : i32 to vector<16xi32>
      %gather3A_126 = tpu.vector_load_idx %arg15[%add3A_100, %broadcast_in_dim3A_125] : memref<80x16xf32, #tpu.memory_space<vmem>>[vector<16xi32>, vector<16xi32>], vector<16xf32>,
      %add3A_127 = arith.constant 3 : i32
      %add3A_128 = vector.broadcast %add3A_127 : i32 to vector<16xi32>
      %add3A_129 = arith.addi %shift_left3A_106, %add3A_128 : vector<16xi32>
      tpu.vector_store_idx %arg14[%add3A_100, %add3A_129], %gather3A_126 : memref<80x128xf32, #tpu.memory_space<vmem>>[vector<16xi32>, vector<16xi32>], vector<16xf32>,
      %add3A_130 = arith.constant 16 : i32
      %add3A_131 = vector.broadcast %add3A_130 : i32 to vector<16xi32>
      %add3A_132 = arith.addi %iota3A, %add3A_131 : vector<16xi32>
      %get3A_133 = arith.constant 16 : index
      %get3A_134 = tpu.vector_load %arg9[%get3A_133] {strides = array<i32>} : memref<80xi32, #tpu.memory_space<vmem>>, vector<16xi32>,
      %and3A_135 = arith.constant 15 : i32
      %and3A_136 = vector.broadcast %and3A_135 : i32 to vector<16xi32>
      %and3A_137 = arith.andi %get3A_134, %and3A_136 : vector<16xi32>
      %shift_left3A_138 = arith.constant 3 : i32
      %shift_left3A_139 = vector.broadcast %shift_left3A_138 : i32 to vector<16xi32>
      %shift_left3A_140 = arith.shli %and3A_137, %shift_left3A_139 : vector<16xi32>
      %broadcast_in_dim3A_141 = arith.constant 0 : i32
      %broadcast_in_dim3A_142 = vector.broadcast %broadcast_in_dim3A_141 : i32 to vector<16xi32>
      %gather3A_143 = tpu.vector_load_idx %arg15[%add3A_132, %broadcast_in_dim3A_142] : memref<80x16xf32, #tpu.memory_space<vmem>>[vector<16xi32>, vector<16xi32>], vector<16xf32>,
      %add3A_144 = arith.constant 0 : i32
      %add3A_145 = vector.broadcast %add3A_144 : i32 to vector<16xi32>
      %add3A_146 = arith.addi %shift_left3A_140, %add3A_145 : vector<16xi32>
      tpu.vector_store_idx %arg14[%add3A_132, %add3A_146], %gather3A_143 : memref<80x128xf32, #tpu.memory_space<vmem>>[vector<16xi32>, vector<16xi32>], vector<16xf32>,
      %broadcast_in_dim3A_147 = arith.constant 1 : i32
      %broadcast_in_dim3A_148 = vector.broadcast %broadcast_in_dim3A_147 : i32 to vector<16xi32>
      %gather3A_149 = tpu.vector_load_idx %arg15[%add3A_132, %broadcast_in_dim3A_148] : memref<80x16xf32, #tpu.memory_space<vmem>>[vector<16xi32>, vector<16xi32>], vector<16xf32>,
      %add3A_150 = arith.constant 1 : i32
      %add3A_151 = vector.broadcast %add3A_150 : i32 to vector<16xi32>
      %add3A_152 = arith.addi %shift_left3A_140, %add3A_151 : vector<16xi32>
      tpu.vector_store_idx %arg14[%add3A_132, %add3A_152], %gather3A_149 : memref<80x128xf32, #tpu.memory_space<vmem>>[vector<16xi32>, vector<16xi32>], vector<16xf32>,
      %broadcast_in_dim3A_153 = arith.constant 2 : i32
      %broadcast_in_dim3A_154 = vector.broadcast %broadcast_in_dim3A_153 : i32 to vector<16xi32>
      %gather3A_155 = tpu.vector_load_idx %arg15[%add3A_132, %broadcast_in_dim3A_154] : memref<80x16xf32, #tpu.memory_space<vmem>>[vector<16xi32>, vector<16xi32>], vector<16xf32>,
      %add3A_156 = arith.constant 2 : i32
      %add3A_157 = vector.broadcast %add3A_156 : i32 to vector<16xi32>
      %add3A_158 = arith.addi %shift_left3A_140, %add3A_157 : vector<16xi32>
      tpu.vector_store_idx %arg14[%add3A_132, %add3A_158], %gather3A_155 : memref<80x128xf32, #tpu.memory_space<vmem>>[vector<16xi32>, vector<16xi32>], vector<16xf32>,
      %broadcast_in_dim3A_159 = arith.constant 3 : i32
      %broadcast_in_dim3A_160 = vector.broadcast %broadcast_in_dim3A_159 : i32 to vector<16xi32>
      %gather3A_161 = tpu.vector_load_idx %arg15[%add3A_132, %broadcast_in_dim3A_160] : memref<80x16xf32, #tpu.memory_space<vmem>>[vector<16xi32>, vector<16xi32>], vector<16xf32>,
      %add3A_162 = arith.constant 3 : i32
      %add3A_163 = vector.broadcast %add3A_162 : i32 to vector<16xi32>
      %add3A_164 = arith.addi %shift_left3A_140, %add3A_163 : vector<16xi32>
      tpu.vector_store_idx %arg14[%add3A_132, %add3A_164], %gather3A_161 : memref<80x128xf32, #tpu.memory_space<vmem>>[vector<16xi32>, vector<16xi32>], vector<16xf32>,
      %add3A_165 = arith.constant 32 : i32
      %add3A_166 = vector.broadcast %add3A_165 : i32 to vector<16xi32>
      %add3A_167 = arith.addi %iota3A, %add3A_166 : vector<16xi32>
      %get3A_168 = arith.constant 32 : index
      %get3A_169 = tpu.vector_load %arg9[%get3A_168] {strides = array<i32>} : memref<80xi32, #tpu.memory_space<vmem>>, vector<16xi32>,
      %and3A_170 = arith.constant 15 : i32
      %and3A_171 = vector.broadcast %and3A_170 : i32 to vector<16xi32>
      %and3A_172 = arith.andi %get3A_169, %and3A_171 : vector<16xi32>
      %shift_left3A_173 = arith.constant 3 : i32
      %shift_left3A_174 = vector.broadcast %shift_left3A_173 : i32 to vector<16xi32>
      %shift_left3A_175 = arith.shli %and3A_172, %shift_left3A_174 : vector<16xi32>
      %broadcast_in_dim3A_176 = arith.constant 0 : i32
      %broadcast_in_dim3A_177 = vector.broadcast %broadcast_in_dim3A_176 : i32 to vector<16xi32>
      %gather3A_178 = tpu.vector_load_idx %arg15[%add3A_167, %broadcast_in_dim3A_177] : memref<80x16xf32, #tpu.memory_space<vmem>>[vector<16xi32>, vector<16xi32>], vector<16xf32>,
      %add3A_179 = arith.constant 0 : i32
      %add3A_180 = vector.broadcast %add3A_179 : i32 to vector<16xi32>
      %add3A_181 = arith.addi %shift_left3A_175, %add3A_180 : vector<16xi32>
      tpu.vector_store_idx %arg14[%add3A_167, %add3A_181], %gather3A_178 : memref<80x128xf32, #tpu.memory_space<vmem>>[vector<16xi32>, vector<16xi32>], vector<16xf32>,
      %broadcast_in_dim3A_182 = arith.constant 1 : i32
      %broadcast_in_dim3A_183 = vector.broadcast %broadcast_in_dim3A_182 : i32 to vector<16xi32>
      %gather3A_184 = tpu.vector_load_idx %arg15[%add3A_167, %broadcast_in_dim3A_183] : memref<80x16xf32, #tpu.memory_space<vmem>>[vector<16xi32>, vector<16xi32>], vector<16xf32>,
      %add3A_185 = arith.constant 1 : i32
      %add3A_186 = vector.broadcast %add3A_185 : i32 to vector<16xi32>
      %add3A_187 = arith.addi %shift_left3A_175, %add3A_186 : vector<16xi32>
      tpu.vector_store_idx %arg14[%add3A_167, %add3A_187], %gather3A_184 : memref<80x128xf32, #tpu.memory_space<vmem>>[vector<16xi32>, vector<16xi32>], vector<16xf32>,
      %broadcast_in_dim3A_188 = arith.constant 2 : i32
      %broadcast_in_dim3A_189 = vector.broadcast %broadcast_in_dim3A_188 : i32 to vector<16xi32>
      %gather3A_190 = tpu.vector_load_idx %arg15[%add3A_167, %broadcast_in_dim3A_189] : memref<80x16xf32, #tpu.memory_space<vmem>>[vector<16xi32>, vector<16xi32>], vector<16xf32>,
      %add3A_191 = arith.constant 2 : i32
      %add3A_192 = vector.broadcast %add3A_191 : i32 to vector<16xi32>
      %add3A_193 = arith.addi %shift_left3A_175, %add3A_192 : vector<16xi32>
      tpu.vector_store_idx %arg14[%add3A_167, %add3A_193], %gather3A_190 : memref<80x128xf32, #tpu.memory_space<vmem>>[vector<16xi32>, vector<16xi32>], vector<16xf32>,
      %broadcast_in_dim3A_194 = arith.constant 3 : i32
      %broadcast_in_dim3A_195 = vector.broadcast %broadcast_in_dim3A_194 : i32 to vector<16xi32>
      %gather3A_196 = tpu.vector_load_idx %arg15[%add3A_167, %broadcast_in_dim3A_195] : memref<80x16xf32, #tpu.memory_space<vmem>>[vector<16xi32>, vector<16xi32>], vector<16xf32>,
      %add3A_197 = arith.constant 3 : i32
      %add3A_198 = vector.broadcast %add3A_197 : i32 to vector<16xi32>
      %add3A_199 = arith.addi %shift_left3A_175, %add3A_198 : vector<16xi32>
      tpu.vector_store_idx %arg14[%add3A_167, %add3A_199], %gather3A_196 : memref<80x128xf32, #tpu.memory_space<vmem>>[vector<16xi32>, vector<16xi32>], vector<16xf32>,
      %add3A_200 = arith.constant 48 : i32
      %add3A_201 = vector.broadcast %add3A_200 : i32 to vector<16xi32>
      %add3A_202 = arith.addi %iota3A, %add3A_201 : vector<16xi32>
      %get3A_203 = arith.constant 48 : index
      %get3A_204 = tpu.vector_load %arg9[%get3A_203] {strides = array<i32>} : memref<80xi32, #tpu.memory_space<vmem>>, vector<16xi32>,
      %and3A_205 = arith.constant 15 : i32
      %and3A_206 = vector.broadcast %and3A_205 : i32 to vector<16xi32>
      %and3A_207 = arith.andi %get3A_204, %and3A_206 : vector<16xi32>
      %shift_left3A_208 = arith.constant 3 : i32
      %shift_left3A_209 = vector.broadcast %shift_left3A_208 : i32 to vector<16xi32>
      %shift_left3A_210 = arith.shli %and3A_207, %shift_left3A_209 : vector<16xi32>
      %broadcast_in_dim3A_211 = arith.constant 0 : i32
      %broadcast_in_dim3A_212 = vector.broadcast %broadcast_in_dim3A_211 : i32 to vector<16xi32>
      %gather3A_213 = tpu.vector_load_idx %arg15[%add3A_202, %broadcast_in_dim3A_212] : memref<80x16xf32, #tpu.memory_space<vmem>>[vector<16xi32>, vector<16xi32>], vector<16xf32>,
      %add3A_214 = arith.constant 0 : i32
      %add3A_215 = vector.broadcast %add3A_214 : i32 to vector<16xi32>
      %add3A_216 = arith.addi %shift_left3A_210, %add3A_215 : vector<16xi32>
      tpu.vector_store_idx %arg14[%add3A_202, %add3A_216], %gather3A_213 : memref<80x128xf32, #tpu.memory_space<vmem>>[vector<16xi32>, vector<16xi32>], vector<16xf32>,
      %broadcast_in_dim3A_217 = arith.constant 1 : i32
      %broadcast_in_dim3A_218 = vector.broadcast %broadcast_in_dim3A_217 : i32 to vector<16xi32>
      %gather3A_219 = tpu.vector_load_idx %arg15[%add3A_202, %broadcast_in_dim3A_218] : memref<80x16xf32, #tpu.memory_space<vmem>>[vector<16xi32>, vector<16xi32>], vector<16xf32>,
      %add3A_220 = arith.constant 1 : i32
      %add3A_221 = vector.broadcast %add3A_220 : i32 to vector<16xi32>
      %add3A_222 = arith.addi %shift_left3A_210, %add3A_221 : vector<16xi32>
      tpu.vector_store_idx %arg14[%add3A_202, %add3A_222], %gather3A_219 : memref<80x128xf32, #tpu.memory_space<vmem>>[vector<16xi32>, vector<16xi32>], vector<16xf32>,
      %broadcast_in_dim3A_223 = arith.constant 2 : i32
      %broadcast_in_dim3A_224 = vector.broadcast %broadcast_in_dim3A_223 : i32 to vector<16xi32>
      %gather3A_225 = tpu.vector_load_idx %arg15[%add3A_202, %broadcast_in_dim3A_224] : memref<80x16xf32, #tpu.memory_space<vmem>>[vector<16xi32>, vector<16xi32>], vector<16xf32>,
      %add3A_226 = arith.constant 2 : i32
      %add3A_227 = vector.broadcast %add3A_226 : i32 to vector<16xi32>
      %add3A_228 = arith.addi %shift_left3A_210, %add3A_227 : vector<16xi32>
      tpu.vector_store_idx %arg14[%add3A_202, %add3A_228], %gather3A_225 : memref<80x128xf32, #tpu.memory_space<vmem>>[vector<16xi32>, vector<16xi32>], vector<16xf32>,
      %broadcast_in_dim3A_229 = arith.constant 3 : i32
      %broadcast_in_dim3A_230 = vector.broadcast %broadcast_in_dim3A_229 : i32 to vector<16xi32>
      %gather3A_231 = tpu.vector_load_idx %arg15[%add3A_202, %broadcast_in_dim3A_230] : memref<80x16xf32, #tpu.memory_space<vmem>>[vector<16xi32>, vector<16xi32>], vector<16xf32>,
      %add3A_232 = arith.constant 3 : i32
      %add3A_233 = vector.broadcast %add3A_232 : i32 to vector<16xi32>
      %add3A_234 = arith.addi %shift_left3A_210, %add3A_233 : vector<16xi32>
      tpu.vector_store_idx %arg14[%add3A_202, %add3A_234], %gather3A_231 : memref<80x128xf32, #tpu.memory_space<vmem>>[vector<16xi32>, vector<16xi32>], vector<16xf32>,
      %add3A_235 = arith.constant 64 : i32
      %add3A_236 = vector.broadcast %add3A_235 : i32 to vector<16xi32>
      %add3A_237 = arith.addi %iota3A, %add3A_236 : vector<16xi32>
      %get3A_238 = arith.constant 64 : index
      %get3A_239 = tpu.vector_load %arg9[%get3A_238] {strides = array<i32>} : memref<80xi32, #tpu.memory_space<vmem>>, vector<16xi32>,
      %and3A_240 = arith.constant 15 : i32
      %and3A_241 = vector.broadcast %and3A_240 : i32 to vector<16xi32>
      %and3A_242 = arith.andi %get3A_239, %and3A_241 : vector<16xi32>
      %shift_left3A_243 = arith.constant 3 : i32
      %shift_left3A_244 = vector.broadcast %shift_left3A_243 : i32 to vector<16xi32>
      %shift_left3A_245 = arith.shli %and3A_242, %shift_left3A_244 : vector<16xi32>
      %broadcast_in_dim3A_246 = arith.constant 0 : i32
      %broadcast_in_dim3A_247 = vector.broadcast %broadcast_in_dim3A_246 : i32 to vector<16xi32>
      %gather3A_248 = tpu.vector_load_idx %arg15[%add3A_237, %broadcast_in_dim3A_247] : memref<80x16xf32, #tpu.memory_space<vmem>>[vector<16xi32>, vector<16xi32>], vector<16xf32>,
      %add3A_249 = arith.constant 0 : i32
      %add3A_250 = vector.broadcast %add3A_249 : i32 to vector<16xi32>
      %add3A_251 = arith.addi %shift_left3A_245, %add3A_250 : vector<16xi32>
      tpu.vector_store_idx %arg14[%add3A_237, %add3A_251], %gather3A_248 : memref<80x128xf32, #tpu.memory_space<vmem>>[vector<16xi32>, vector<16xi32>], vector<16xf32>,
      %broadcast_in_dim3A_252 = arith.constant 1 : i32
      %broadcast_in_dim3A_253 = vector.broadcast %broadcast_in_dim3A_252 : i32 to vector<16xi32>
      %gather3A_254 = tpu.vector_load_idx %arg15[%add3A_237, %broadcast_in_dim3A_253] : memref<80x16xf32, #tpu.memory_space<vmem>>[vector<16xi32>, vector<16xi32>], vector<16xf32>,
      %add3A_255 = arith.constant 1 : i32
      %add3A_256 = vector.broadcast %add3A_255 : i32 to vector<16xi32>
      %add3A_257 = arith.addi %shift_left3A_245, %add3A_256 : vector<16xi32>
      tpu.vector_store_idx %arg14[%add3A_237, %add3A_257], %gather3A_254 : memref<80x128xf32, #tpu.memory_space<vmem>>[vector<16xi32>, vector<16xi32>], vector<16xf32>,
      %broadcast_in_dim3A_258 = arith.constant 2 : i32
      %broadcast_in_dim3A_259 = vector.broadcast %broadcast_in_dim3A_258 : i32 to vector<16xi32>
      %gather3A_260 = tpu.vector_load_idx %arg15[%add3A_237, %broadcast_in_dim3A_259] : memref<80x16xf32, #tpu.memory_space<vmem>>[vector<16xi32>, vector<16xi32>], vector<16xf32>,
      %add3A_261 = arith.constant 2 : i32
      %add3A_262 = vector.broadcast %add3A_261 : i32 to vector<16xi32>
      %add3A_263 = arith.addi %shift_left3A_245, %add3A_262 : vector<16xi32>
      tpu.vector_store_idx %arg14[%add3A_237, %add3A_263], %gather3A_260 : memref<80x128xf32, #tpu.memory_space<vmem>>[vector<16xi32>, vector<16xi32>], vector<16xf32>,
      %broadcast_in_dim3A_264 = arith.constant 3 : i32
      %broadcast_in_dim3A_265 = vector.broadcast %broadcast_in_dim3A_264 : i32 to vector<16xi32>
      %gather3A_266 = tpu.vector_load_idx %arg15[%add3A_237, %broadcast_in_dim3A_265] : memref<80x16xf32, #tpu.memory_space<vmem>>[vector<16xi32>, vector<16xi32>], vector<16xf32>,
      %add3A_267 = arith.constant 3 : i32
      %add3A_268 = vector.broadcast %add3A_267 : i32 to vector<16xi32>
      %add3A_269 = arith.addi %shift_left3A_245, %add3A_268 : vector<16xi32>
      tpu.vector_store_idx %arg14[%add3A_237, %add3A_269], %gather3A_266 : memref<80x128xf32, #tpu.memory_space<vmem>>[vector<16xi32>, vector<16xi32>], vector<16xf32>,
      %dma_start3A_270 = arith.constant 0 : i32
      %dma_start3A_271 = arith.constant 0 : i32
      %dma_start3A_272 = tpu.memref_slice %arg4[%dma_start3A_270, %dma_start3A_271] : memref<10000x128xf32, #tpu.memory_space<hbm>> -> memref<10000x128xf32, #tpu.memory_space<hbm>>
      tpu.enqueue_indirect_dma source(%dma_start3A_272 : memref<10000x128xf32, #tpu.memory_space<hbm>>) target(%arg13 : memref<80x128xf32, #tpu.memory_space<vmem>>) offsets(%arg10 : memref<80xi32, #tpu.memory_space<vmem>>) semaphore(%arg19 : memref<!tpu.dma_semaphore, #tpu.memory_space<semaphore_mem>>)
      %dma_wait3A_273 = arith.constant 0 : i32
      %dma_wait3A_274 = arith.constant 0 : i32
      %dma_wait3A_275 = tpu.memref_slice %arg4[%dma_wait3A_273, %dma_wait3A_274] : memref<10000x128xf32, #tpu.memory_space<hbm>> -> memref<10000x128xf32, #tpu.memory_space<hbm>>
      tpu.wait_indirect_dma semaphore(%arg19 : memref<!tpu.dma_semaphore, #tpu.memory_space<semaphore_mem>>) src(%dma_wait3A_275 : memref<10000x128xf32, #tpu.memory_space<hbm>>) dst(%arg13 : memref<80x128xf32, #tpu.memory_space<vmem>>)
      %scan3A_276 = arith.constant 0 : i32
      %scan3A_277 = arith.constant 0 : i32
      %scan3A_278 = arith.constant 80 : i32
      %scan3A_279 = arith.addi %scan3A_277, %scan3A_278 : i32
      %scan3A_280 = arith.constant 1 : i32
      %scan3A_281 = scf.for %scan3A_399 = %scan3A_277 to %scan3A_279 step %scan3A_280 iter_args(%scan3A_400 = %scan3A_276) -> (i32)  : i32 {
        %get3A_401 = arith.index_cast %scan3A_399 : i32 to index
        %get3A_402 = arith.constant 0 : index
        %get3A_403 = tpu.vector_load %arg15[%get3A_401, %get3A_402] {strides = array<i32>} : memref<80x16xf32, #tpu.memory_space<vmem>>, vector<16xf32>,
        %broadcast_in_dim3A_404 = arith.constant 0 : i32
        %broadcast_in_dim3A_405 = vector.broadcast %broadcast_in_dim3A_404 : i32 to vector<16xi32>
        %lt3A = arith.constant 0 : i32
        %lt3A_406 = vector.broadcast %lt3A : i32 to vector<16xi32>
        %lt3A_407 = arith.cmpi slt, %broadcast_in_dim3A_405, %lt3A_406 : vector<16xi32>
        %add3A_408 = arith.constant 16 : i32
        %add3A_409 = vector.broadcast %add3A_408 : i32 to vector<16xi32>
        %add3A_410 = arith.addi %broadcast_in_dim3A_405, %add3A_409 : vector<16xi32>
        %select_n3A = arith.select %lt3A_407, %add3A_410, %broadcast_in_dim3A_405 : vector<16xi1>, vector<16xi32>
        %broadcast_in_dim3A_411 = vector.shape_cast %select_n3A : vector<16xi32> to vector<16x1xi32>
        %gather3A_412 = vector.shape_cast %broadcast_in_dim3A_411 : vector<16x1xi32> to vector<16xi32>
        %gather3A_413 = tpu.dynamic_gather %get3A_403[%gather3A_412] in [0] : vector<16xf32>, vector<16xi32> -> vector<16xf32>
        %get3A_414 = arith.index_cast %scan3A_399 : i32 to index
        %get3A_415 = arith.constant 0 : index
        %get3A_416 = tpu.vector_load %arg13[%get3A_414, %get3A_415] {strides = array<i32>} : memref<80x128xf32, #tpu.memory_space<vmem>>, vector<16xf32>,
        %mul3A_417 = arith.mulf %gather3A_413, %get3A_416 : vector<16xf32>
        %swap3A_418 = arith.index_cast %scan3A_399 : i32 to index
        %swap3A_419 = arith.constant 0 : index
        %swap3A_420 = tpu.vector_load %arg12[%swap3A_418, %swap3A_419] {strides = array<i32>} : memref<80x128xf32, #tpu.memory_space<vmem>>, vector<16xf32>,
        tpu.vector_store %arg12[%swap3A_418, %swap3A_419], %mul3A_417 {strides = array<i32>} : memref<80x128xf32, #tpu.memory_space<vmem>>, vector<16xf32>,
        %get3A_421 = arith.index_cast %scan3A_399 : i32 to index
        %get3A_422 = arith.constant 16 : index
        %get3A_423 = tpu.vector_load %arg13[%get3A_421, %get3A_422] {strides = array<i32>} : memref<80x128xf32, #tpu.memory_space<vmem>>, vector<16xf32>,
        %mul3A_424 = arith.mulf %gather3A_413, %get3A_423 : vector<16xf32>
        %swap3A_425 = arith.index_cast %scan3A_399 : i32 to index
        %swap3A_426 = arith.constant 16 : index
        %swap3A_427 = tpu.vector_load %arg12[%swap3A_425, %swap3A_426] {strides = array<i32>} : memref<80x128xf32, #tpu.memory_space<vmem>>, vector<16xf32>,
        tpu.vector_store %arg12[%swap3A_425, %swap3A_426], %mul3A_424 {strides = array<i32>} : memref<80x128xf32, #tpu.memory_space<vmem>>, vector<16xf32>,
        %broadcast_in_dim3A_428 = arith.constant 1 : i32
        %broadcast_in_dim3A_429 = vector.broadcast %broadcast_in_dim3A_428 : i32 to vector<16xi32>
        %lt3A_430 = arith.constant 0 : i32
        %lt3A_431 = vector.broadcast %lt3A_430 : i32 to vector<16xi32>
        %lt3A_432 = arith.cmpi slt, %broadcast_in_dim3A_429, %lt3A_431 : vector<16xi32>
        %add3A_433 = arith.constant 16 : i32
        %add3A_434 = vector.broadcast %add3A_433 : i32 to vector<16xi32>
        %add3A_435 = arith.addi %broadcast_in_dim3A_429, %add3A_434 : vector<16xi32>
        %select_n3A_436 = arith.select %lt3A_432, %add3A_435, %broadcast_in_dim3A_429 : vector<16xi1>, vector<16xi32>
        %broadcast_in_dim3A_437 = vector.shape_cast %select_n3A_436 : vector<16xi32> to vector<16x1xi32>
        %gather3A_438 = vector.shape_cast %broadcast_in_dim3A_437 : vector<16x1xi32> to vector<16xi32>
        %gather3A_439 = tpu.dynamic_gather %get3A_403[%gather3A_438] in [0] : vector<16xf32>, vector<16xi32> -> vector<16xf32>
        %get3A_440 = arith.index_cast %scan3A_399 : i32 to index
        %get3A_441 = arith.constant 32 : index
        %get3A_442 = tpu.vector_load %arg13[%get3A_440, %get3A_441] {strides = array<i32>} : memref<80x128xf32, #tpu.memory_space<vmem>>, vector<16xf32>,
        %mul3A_443 = arith.mulf %gather3A_439, %get3A_442 : vector<16xf32>
        %swap3A_444 = arith.index_cast %scan3A_399 : i32 to index
        %swap3A_445 = arith.constant 32 : index
        %swap3A_446 = tpu.vector_load %arg12[%swap3A_444, %swap3A_445] {strides = array<i32>} : memref<80x128xf32, #tpu.memory_space<vmem>>, vector<16xf32>,
        tpu.vector_store %arg12[%swap3A_444, %swap3A_445], %mul3A_443 {strides = array<i32>} : memref<80x128xf32, #tpu.memory_space<vmem>>, vector<16xf32>,
        %get3A_447 = arith.index_cast %scan3A_399 : i32 to index
        %get3A_448 = arith.constant 48 : index
        %get3A_449 = tpu.vector_load %arg13[%get3A_447, %get3A_448] {strides = array<i32>} : memref<80x128xf32, #tpu.memory_space<vmem>>, vector<16xf32>,
        %mul3A_450 = arith.mulf %gather3A_439, %get3A_449 : vector<16xf32>
        %swap3A_451 = arith.index_cast %scan3A_399 : i32 to index
        %swap3A_452 = arith.constant 48 : index
        %swap3A_453 = tpu.vector_load %arg12[%swap3A_451, %swap3A_452] {strides = array<i32>} : memref<80x128xf32, #tpu.memory_space<vmem>>, vector<16xf32>,
        tpu.vector_store %arg12[%swap3A_451, %swap3A_452], %mul3A_450 {strides = array<i32>} : memref<80x128xf32, #tpu.memory_space<vmem>>, vector<16xf32>,
        %broadcast_in_dim3A_454 = arith.constant 2 : i32
        %broadcast_in_dim3A_455 = vector.broadcast %broadcast_in_dim3A_454 : i32 to vector<16xi32>
        %lt3A_456 = arith.constant 0 : i32
        %lt3A_457 = vector.broadcast %lt3A_456 : i32 to vector<16xi32>
        %lt3A_458 = arith.cmpi slt, %broadcast_in_dim3A_455, %lt3A_457 : vector<16xi32>
        %add3A_459 = arith.constant 16 : i32
        %add3A_460 = vector.broadcast %add3A_459 : i32 to vector<16xi32>
        %add3A_461 = arith.addi %broadcast_in_dim3A_455, %add3A_460 : vector<16xi32>
        %select_n3A_462 = arith.select %lt3A_458, %add3A_461, %broadcast_in_dim3A_455 : vector<16xi1>, vector<16xi32>
        %broadcast_in_dim3A_463 = vector.shape_cast %select_n3A_462 : vector<16xi32> to vector<16x1xi32>
        %gather3A_464 = vector.shape_cast %broadcast_in_dim3A_463 : vector<16x1xi32> to vector<16xi32>
        %gather3A_465 = tpu.dynamic_gather %get3A_403[%gather3A_464] in [0] : vector<16xf32>, vector<16xi32> -> vector<16xf32>
        %get3A_466 = arith.index_cast %scan3A_399 : i32 to index
        %get3A_467 = arith.constant 64 : index
        %get3A_468 = tpu.vector_load %arg13[%get3A_466, %get3A_467] {strides = array<i32>} : memref<80x128xf32, #tpu.memory_space<vmem>>, vector<16xf32>,
        %mul3A_469 = arith.mulf %gather3A_465, %get3A_468 : vector<16xf32>
        %swap3A_470 = arith.index_cast %scan3A_399 : i32 to index
        %swap3A_471 = arith.constant 64 : index
        %swap3A_472 = tpu.vector_load %arg12[%swap3A_470, %swap3A_471] {strides = array<i32>} : memref<80x128xf32, #tpu.memory_space<vmem>>, vector<16xf32>,
        tpu.vector_store %arg12[%swap3A_470, %swap3A_471], %mul3A_469 {strides = array<i32>} : memref<80x128xf32, #tpu.memory_space<vmem>>, vector<16xf32>,
        %get3A_473 = arith.index_cast %scan3A_399 : i32 to index
        %get3A_474 = arith.constant 80 : index
        %get3A_475 = tpu.vector_load %arg13[%get3A_473, %get3A_474] {strides = array<i32>} : memref<80x128xf32, #tpu.memory_space<vmem>>, vector<16xf32>,
        %mul3A_476 = arith.mulf %gather3A_465, %get3A_475 : vector<16xf32>
        %swap3A_477 = arith.index_cast %scan3A_399 : i32 to index
        %swap3A_478 = arith.constant 80 : index
        %swap3A_479 = tpu.vector_load %arg12[%swap3A_477, %swap3A_478] {strides = array<i32>} : memref<80x128xf32, #tpu.memory_space<vmem>>, vector<16xf32>,
        tpu.vector_store %arg12[%swap3A_477, %swap3A_478], %mul3A_476 {strides = array<i32>} : memref<80x128xf32, #tpu.memory_space<vmem>>, vector<16xf32>,
        %broadcast_in_dim3A_480 = arith.constant 3 : i32
        %broadcast_in_dim3A_481 = vector.broadcast %broadcast_in_dim3A_480 : i32 to vector<16xi32>
        %lt3A_482 = arith.constant 0 : i32
        %lt3A_483 = vector.broadcast %lt3A_482 : i32 to vector<16xi32>
        %lt3A_484 = arith.cmpi slt, %broadcast_in_dim3A_481, %lt3A_483 : vector<16xi32>
        %add3A_485 = arith.constant 16 : i32
        %add3A_486 = vector.broadcast %add3A_485 : i32 to vector<16xi32>
        %add3A_487 = arith.addi %broadcast_in_dim3A_481, %add3A_486 : vector<16xi32>
        %select_n3A_488 = arith.select %lt3A_484, %add3A_487, %broadcast_in_dim3A_481 : vector<16xi1>, vector<16xi32>
        %broadcast_in_dim3A_489 = vector.shape_cast %select_n3A_488 : vector<16xi32> to vector<16x1xi32>
        %gather3A_490 = vector.shape_cast %broadcast_in_dim3A_489 : vector<16x1xi32> to vector<16xi32>
        %gather3A_491 = tpu.dynamic_gather %get3A_403[%gather3A_490] in [0] : vector<16xf32>, vector<16xi32> -> vector<16xf32>
        %get3A_492 = arith.index_cast %scan3A_399 : i32 to index
        %get3A_493 = arith.constant 96 : index
        %get3A_494 = tpu.vector_load %arg13[%get3A_492, %get3A_493] {strides = array<i32>} : memref<80x128xf32, #tpu.memory_space<vmem>>, vector<16xf32>,
        %mul3A_495 = arith.mulf %gather3A_491, %get3A_494 : vector<16xf32>
        %swap3A_496 = arith.index_cast %scan3A_399 : i32 to index
        %swap3A_497 = arith.constant 96 : index
        %swap3A_498 = tpu.vector_load %arg12[%swap3A_496, %swap3A_497] {strides = array<i32>} : memref<80x128xf32, #tpu.memory_space<vmem>>, vector<16xf32>,
        tpu.vector_store %arg12[%swap3A_496, %swap3A_497], %mul3A_495 {strides = array<i32>} : memref<80x128xf32, #tpu.memory_space<vmem>>, vector<16xf32>,
        %get3A_499 = arith.index_cast %scan3A_399 : i32 to index
        %get3A_500 = arith.constant 112 : index
        %get3A_501 = tpu.vector_load %arg13[%get3A_499, %get3A_500] {strides = array<i32>} : memref<80x128xf32, #tpu.memory_space<vmem>>, vector<16xf32>,
        %mul3A_502 = arith.mulf %gather3A_491, %get3A_501 : vector<16xf32>
        %swap3A_503 = arith.index_cast %scan3A_399 : i32 to index
        %swap3A_504 = arith.constant 112 : index
        %swap3A_505 = tpu.vector_load %arg12[%swap3A_503, %swap3A_504] {strides = array<i32>} : memref<80x128xf32, #tpu.memory_space<vmem>>, vector<16xf32>,
        tpu.vector_store %arg12[%swap3A_503, %swap3A_504], %mul3A_502 {strides = array<i32>} : memref<80x128xf32, #tpu.memory_space<vmem>>, vector<16xf32>,
        %scan3A_506 = arith.constant 0 : i32
        scf.yield %scan3A_506 : i32
      }
      %scan3A_282 = arith.constant 80 : i32
      "tpu.region"() ({
        %run_scoped3A = tpu.sem_alloc : memref<!tpu.dma_semaphore, #tpu.memory_space<semaphore_mem>>
        %dma_start3A_399 = arith.constant 0 : i32
        %dma_start3A_400 = arith.constant 0 : i32
        %dma_start3A_401 = tpu.memref_slice %arg16[%dma_start3A_399, %dma_start3A_400] : memref<10240x128xf32, #tpu.memory_space<vmem_shared>> -> memref<10240x128xf32, #tpu.memory_space<vmem_shared>>
        tpu.enqueue_indirect_dma source(%arg12 : memref<80x128xf32, #tpu.memory_space<vmem>>) target(%dma_start3A_401 : memref<10240x128xf32, #tpu.memory_space<vmem_shared>>) offsets(%arg9 : memref<80xi32, #tpu.memory_space<vmem>>) semaphore(%run_scoped3A : memref<!tpu.dma_semaphore, #tpu.memory_space<semaphore_mem>>) {add = true}
        %dma_wait3A_402 = arith.constant 0 : i32
        %dma_wait3A_403 = arith.constant 0 : i32
        %dma_wait3A_404 = tpu.memref_slice %arg16[%dma_wait3A_402, %dma_wait3A_403] : memref<10240x128xf32, #tpu.memory_space<vmem_shared>> -> memref<10240x128xf32, #tpu.memory_space<vmem_shared>>
        tpu.wait_indirect_dma semaphore(%run_scoped3A : memref<!tpu.dma_semaphore, #tpu.memory_space<semaphore_mem>>) src(%arg12 : memref<80x128xf32, #tpu.memory_space<vmem>>) dst(%dma_wait3A_404 : memref<10240x128xf32, #tpu.memory_space<vmem_shared>>)
        tpu.yield
      }) : () -> ()
      "tpu.region"() ({
        %run_scoped3A = tpu.sem_alloc : memref<!tpu.dma_semaphore, #tpu.memory_space<semaphore_mem>>
        %dma_start3A_399 = arith.constant 0 : i32
        %dma_start3A_400 = arith.constant 0 : i32
        %dma_start3A_401 = tpu.memref_slice %arg17[%dma_start3A_399, %dma_start3A_400] : memref<640x128xf32, #tpu.memory_space<vmem_shared>> -> memref<640x128xf32, #tpu.memory_space<vmem_shared>>
        tpu.enqueue_indirect_dma source(%arg14 : memref<80x128xf32, #tpu.memory_space<vmem>>) target(%dma_start3A_401 : memref<640x128xf32, #tpu.memory_space<vmem_shared>>) offsets(%arg11 : memref<80xi32, #tpu.memory_space<vmem>>) semaphore(%run_scoped3A : memref<!tpu.dma_semaphore, #tpu.memory_space<semaphore_mem>>) {add = true}
        %dma_wait3A_402 = arith.constant 0 : i32
        %dma_wait3A_403 = arith.constant 0 : i32
        %dma_wait3A_404 = tpu.memref_slice %arg17[%dma_wait3A_402, %dma_wait3A_403] : memref<640x128xf32, #tpu.memory_space<vmem_shared>> -> memref<640x128xf32, #tpu.memory_space<vmem_shared>>
        tpu.wait_indirect_dma semaphore(%run_scoped3A : memref<!tpu.dma_semaphore, #tpu.memory_space<semaphore_mem>>) src(%arg14 : memref<80x128xf32, #tpu.memory_space<vmem>>) dst(%dma_wait3A_404 : memref<640x128xf32, #tpu.memory_space<vmem_shared>>)
        tpu.yield
      }) : () -> ()
      %add3A_283 = arith.constant 0 : i32
      %add3A_284 = vector.broadcast %add3A_283 : i32 to vector<16xi32>
      %add3A_285 = arith.addi %iota3A, %add3A_284 : vector<16xi32>
      %get3A_286 = arith.constant 0 : index
      %get3A_287 = tpu.vector_load %arg9[%get3A_286] {strides = array<i32>} : memref<80xi32, #tpu.memory_space<vmem>>, vector<16xi32>,
      %and3A_288 = arith.constant 15 : i32
      %and3A_289 = vector.broadcast %and3A_288 : i32 to vector<16xi32>
      %and3A_290 = arith.andi %get3A_287, %and3A_289 : vector<16xi32>
      %shift_left3A_291 = arith.constant 3 : i32
      %shift_left3A_292 = vector.broadcast %shift_left3A_291 : i32 to vector<16xi32>
      %shift_left3A_293 = arith.shli %and3A_290, %shift_left3A_292 : vector<16xi32>
      %add3A_294 = arith.constant 0 : i32
      %add3A_295 = vector.broadcast %add3A_294 : i32 to vector<16xi32>
      %add3A_296 = arith.addi %shift_left3A_293, %add3A_295 : vector<16xi32>
      tpu.vector_store_idx %arg14[%add3A_285, %add3A_296], %broadcast_in_dim3A_0 : memref<80x128xf32, #tpu.memory_space<vmem>>[vector<16xi32>, vector<16xi32>], vector<16xf32>,
      %add3A_297 = arith.constant 1 : i32
      %add3A_298 = vector.broadcast %add3A_297 : i32 to vector<16xi32>
      %add3A_299 = arith.addi %shift_left3A_293, %add3A_298 : vector<16xi32>
      tpu.vector_store_idx %arg14[%add3A_285, %add3A_299], %broadcast_in_dim3A_0 : memref<80x128xf32, #tpu.memory_space<vmem>>[vector<16xi32>, vector<16xi32>], vector<16xf32>,
      %add3A_300 = arith.constant 2 : i32
      %add3A_301 = vector.broadcast %add3A_300 : i32 to vector<16xi32>
      %add3A_302 = arith.addi %shift_left3A_293, %add3A_301 : vector<16xi32>
      tpu.vector_store_idx %arg14[%add3A_285, %add3A_302], %broadcast_in_dim3A_0 : memref<80x128xf32, #tpu.memory_space<vmem>>[vector<16xi32>, vector<16xi32>], vector<16xf32>,
      %add3A_303 = arith.constant 3 : i32
      %add3A_304 = vector.broadcast %add3A_303 : i32 to vector<16xi32>
      %add3A_305 = arith.addi %shift_left3A_293, %add3A_304 : vector<16xi32>
      tpu.vector_store_idx %arg14[%add3A_285, %add3A_305], %broadcast_in_dim3A_0 : memref<80x128xf32, #tpu.memory_space<vmem>>[vector<16xi32>, vector<16xi32>], vector<16xf32>,
      %add3A_306 = arith.constant 16 : i32
      %add3A_307 = vector.broadcast %add3A_306 : i32 to vector<16xi32>
      %add3A_308 = arith.addi %iota3A, %add3A_307 : vector<16xi32>
      %get3A_309 = arith.constant 16 : index
      %get3A_310 = tpu.vector_load %arg9[%get3A_309] {strides = array<i32>} : memref<80xi32, #tpu.memory_space<vmem>>, vector<16xi32>,
      %and3A_311 = arith.constant 15 : i32
      %and3A_312 = vector.broadcast %and3A_311 : i32 to vector<16xi32>
      %and3A_313 = arith.andi %get3A_310, %and3A_312 : vector<16xi32>
      %shift_left3A_314 = arith.constant 3 : i32
      %shift_left3A_315 = vector.broadcast %shift_left3A_314 : i32 to vector<16xi32>
      %shift_left3A_316 = arith.shli %and3A_313, %shift_left3A_315 : vector<16xi32>
      %add3A_317 = arith.constant 0 : i32
      %add3A_318 = vector.broadcast %add3A_317 : i32 to vector<16xi32>
      %add3A_319 = arith.addi %shift_left3A_316, %add3A_318 : vector<16xi32>
      tpu.vector_store_idx %arg14[%add3A_308, %add3A_319], %broadcast_in_dim3A_0 : memref<80x128xf32, #tpu.memory_space<vmem>>[vector<16xi32>, vector<16xi32>], vector<16xf32>,
      %add3A_320 = arith.constant 1 : i32
      %add3A_321 = vector.broadcast %add3A_320 : i32 to vector<16xi32>
      %add3A_322 = arith.addi %shift_left3A_316, %add3A_321 : vector<16xi32>
      tpu.vector_store_idx %arg14[%add3A_308, %add3A_322], %broadcast_in_dim3A_0 : memref<80x128xf32, #tpu.memory_space<vmem>>[vector<16xi32>, vector<16xi32>], vector<16xf32>,
      %add3A_323 = arith.constant 2 : i32
      %add3A_324 = vector.broadcast %add3A_323 : i32 to vector<16xi32>
      %add3A_325 = arith.addi %shift_left3A_316, %add3A_324 : vector<16xi32>
      tpu.vector_store_idx %arg14[%add3A_308, %add3A_325], %broadcast_in_dim3A_0 : memref<80x128xf32, #tpu.memory_space<vmem>>[vector<16xi32>, vector<16xi32>], vector<16xf32>,
      %add3A_326 = arith.constant 3 : i32
      %add3A_327 = vector.broadcast %add3A_326 : i32 to vector<16xi32>
      %add3A_328 = arith.addi %shift_left3A_316, %add3A_327 : vector<16xi32>
      tpu.vector_store_idx %arg14[%add3A_308, %add3A_328], %broadcast_in_dim3A_0 : memref<80x128xf32, #tpu.memory_space<vmem>>[vector<16xi32>, vector<16xi32>], vector<16xf32>,
      %add3A_329 = arith.constant 32 : i32
      %add3A_330 = vector.broadcast %add3A_329 : i32 to vector<16xi32>
      %add3A_331 = arith.addi %iota3A, %add3A_330 : vector<16xi32>
      %get3A_332 = arith.constant 32 : index
      %get3A_333 = tpu.vector_load %arg9[%get3A_332] {strides = array<i32>} : memref<80xi32, #tpu.memory_space<vmem>>, vector<16xi32>,
      %and3A_334 = arith.constant 15 : i32
      %and3A_335 = vector.broadcast %and3A_334 : i32 to vector<16xi32>
      %and3A_336 = arith.andi %get3A_333, %and3A_335 : vector<16xi32>
      %shift_left3A_337 = arith.constant 3 : i32
      %shift_left3A_338 = vector.broadcast %shift_left3A_337 : i32 to vector<16xi32>
      %shift_left3A_339 = arith.shli %and3A_336, %shift_left3A_338 : vector<16xi32>
      %add3A_340 = arith.constant 0 : i32
      %add3A_341 = vector.broadcast %add3A_340 : i32 to vector<16xi32>
      %add3A_342 = arith.addi %shift_left3A_339, %add3A_341 : vector<16xi32>
      tpu.vector_store_idx %arg14[%add3A_331, %add3A_342], %broadcast_in_dim3A_0 : memref<80x128xf32, #tpu.memory_space<vmem>>[vector<16xi32>, vector<16xi32>], vector<16xf32>,
      %add3A_343 = arith.constant 1 : i32
      %add3A_344 = vector.broadcast %add3A_343 : i32 to vector<16xi32>
      %add3A_345 = arith.addi %shift_left3A_339, %add3A_344 : vector<16xi32>
      tpu.vector_store_idx %arg14[%add3A_331, %add3A_345], %broadcast_in_dim3A_0 : memref<80x128xf32, #tpu.memory_space<vmem>>[vector<16xi32>, vector<16xi32>], vector<16xf32>,
      %add3A_346 = arith.constant 2 : i32
      %add3A_347 = vector.broadcast %add3A_346 : i32 to vector<16xi32>
      %add3A_348 = arith.addi %shift_left3A_339, %add3A_347 : vector<16xi32>
      tpu.vector_store_idx %arg14[%add3A_331, %add3A_348], %broadcast_in_dim3A_0 : memref<80x128xf32, #tpu.memory_space<vmem>>[vector<16xi32>, vector<16xi32>], vector<16xf32>,
      %add3A_349 = arith.constant 3 : i32
      %add3A_350 = vector.broadcast %add3A_349 : i32 to vector<16xi32>
      %add3A_351 = arith.addi %shift_left3A_339, %add3A_350 : vector<16xi32>
      tpu.vector_store_idx %arg14[%add3A_331, %add3A_351], %broadcast_in_dim3A_0 : memref<80x128xf32, #tpu.memory_space<vmem>>[vector<16xi32>, vector<16xi32>], vector<16xf32>,
      %add3A_352 = arith.constant 48 : i32
      %add3A_353 = vector.broadcast %add3A_352 : i32 to vector<16xi32>
      %add3A_354 = arith.addi %iota3A, %add3A_353 : vector<16xi32>
      %get3A_355 = arith.constant 48 : index
      %get3A_356 = tpu.vector_load %arg9[%get3A_355] {strides = array<i32>} : memref<80xi32, #tpu.memory_space<vmem>>, vector<16xi32>,
      %and3A_357 = arith.constant 15 : i32
      %and3A_358 = vector.broadcast %and3A_357 : i32 to vector<16xi32>
      %and3A_359 = arith.andi %get3A_356, %and3A_358 : vector<16xi32>
      %shift_left3A_360 = arith.constant 3 : i32
      %shift_left3A_361 = vector.broadcast %shift_left3A_360 : i32 to vector<16xi32>
      %shift_left3A_362 = arith.shli %and3A_359, %shift_left3A_361 : vector<16xi32>
      %add3A_363 = arith.constant 0 : i32
      %add3A_364 = vector.broadcast %add3A_363 : i32 to vector<16xi32>
      %add3A_365 = arith.addi %shift_left3A_362, %add3A_364 : vector<16xi32>
      tpu.vector_store_idx %arg14[%add3A_354, %add3A_365], %broadcast_in_dim3A_0 : memref<80x128xf32, #tpu.memory_space<vmem>>[vector<16xi32>, vector<16xi32>], vector<16xf32>,
      %add3A_366 = arith.constant 1 : i32
      %add3A_367 = vector.broadcast %add3A_366 : i32 to vector<16xi32>
      %add3A_368 = arith.addi %shift_left3A_362, %add3A_367 : vector<16xi32>
      tpu.vector_store_idx %arg14[%add3A_354, %add3A_368], %broadcast_in_dim3A_0 : memref<80x128xf32, #tpu.memory_space<vmem>>[vector<16xi32>, vector<16xi32>], vector<16xf32>,
      %add3A_369 = arith.constant 2 : i32
      %add3A_370 = vector.broadcast %add3A_369 : i32 to vector<16xi32>
      %add3A_371 = arith.addi %shift_left3A_362, %add3A_370 : vector<16xi32>
      tpu.vector_store_idx %arg14[%add3A_354, %add3A_371], %broadcast_in_dim3A_0 : memref<80x128xf32, #tpu.memory_space<vmem>>[vector<16xi32>, vector<16xi32>], vector<16xf32>,
      %add3A_372 = arith.constant 3 : i32
      %add3A_373 = vector.broadcast %add3A_372 : i32 to vector<16xi32>
      %add3A_374 = arith.addi %shift_left3A_362, %add3A_373 : vector<16xi32>
      tpu.vector_store_idx %arg14[%add3A_354, %add3A_374], %broadcast_in_dim3A_0 : memref<80x128xf32, #tpu.memory_space<vmem>>[vector<16xi32>, vector<16xi32>], vector<16xf32>,
      %add3A_375 = arith.constant 64 : i32
      %add3A_376 = vector.broadcast %add3A_375 : i32 to vector<16xi32>
      %add3A_377 = arith.addi %iota3A, %add3A_376 : vector<16xi32>
      %get3A_378 = arith.constant 64 : index
      %get3A_379 = tpu.vector_load %arg9[%get3A_378] {strides = array<i32>} : memref<80xi32, #tpu.memory_space<vmem>>, vector<16xi32>,
      %and3A_380 = arith.constant 15 : i32
      %and3A_381 = vector.broadcast %and3A_380 : i32 to vector<16xi32>
      %and3A_382 = arith.andi %get3A_379, %and3A_381 : vector<16xi32>
      %shift_left3A_383 = arith.constant 3 : i32
      %shift_left3A_384 = vector.broadcast %shift_left3A_383 : i32 to vector<16xi32>
      %shift_left3A_385 = arith.shli %and3A_382, %shift_left3A_384 : vector<16xi32>
      %add3A_386 = arith.constant 0 : i32
      %add3A_387 = vector.broadcast %add3A_386 : i32 to vector<16xi32>
      %add3A_388 = arith.addi %shift_left3A_385, %add3A_387 : vector<16xi32>
      tpu.vector_store_idx %arg14[%add3A_377, %add3A_388], %broadcast_in_dim3A_0 : memref<80x128xf32, #tpu.memory_space<vmem>>[vector<16xi32>, vector<16xi32>], vector<16xf32>,
      %add3A_389 = arith.constant 1 : i32
      %add3A_390 = vector.broadcast %add3A_389 : i32 to vector<16xi32>
      %add3A_391 = arith.addi %shift_left3A_385, %add3A_390 : vector<16xi32>
      tpu.vector_store_idx %arg14[%add3A_377, %add3A_391], %broadcast_in_dim3A_0 : memref<80x128xf32, #tpu.memory_space<vmem>>[vector<16xi32>, vector<16xi32>], vector<16xf32>,
      %add3A_392 = arith.constant 2 : i32
      %add3A_393 = vector.broadcast %add3A_392 : i32 to vector<16xi32>
      %add3A_394 = arith.addi %shift_left3A_385, %add3A_393 : vector<16xi32>
      tpu.vector_store_idx %arg14[%add3A_377, %add3A_394], %broadcast_in_dim3A_0 : memref<80x128xf32, #tpu.memory_space<vmem>>[vector<16xi32>, vector<16xi32>], vector<16xf32>,
      %add3A_395 = arith.constant 3 : i32
      %add3A_396 = vector.broadcast %add3A_395 : i32 to vector<16xi32>
      %add3A_397 = arith.addi %shift_left3A_385, %add3A_396 : vector<16xi32>
      tpu.vector_store_idx %arg14[%add3A_377, %add3A_397], %broadcast_in_dim3A_0 : memref<80x128xf32, #tpu.memory_space<vmem>>[vector<16xi32>, vector<16xi32>], vector<16xf32>,
      %scan3A_398 = arith.constant 0 : i32
      scf.yield %scan3A_398 : i32
    }
    %scan3A_36 = arith.constant 125 : i32
    %barrier3A_37 = arith.constant 0 : index
    tpu.barrier barrier_id(%barrier3A_37)
    "tpu.region"() ({
      %run_scoped3A = tpu.sem_alloc : memref<!tpu.dma_semaphore, #tpu.memory_space<semaphore_mem>>
      %dma_start3A = arith.constant 0 : i32
      %dma_start3A_42 = tpu.memref_slice %arg7[%arg0, %mul3A_7, %dma_start3A] : memref<2x10240x128xf32, #tpu.memory_space<hbm>> -> memref<1x640x128xf32, #tpu.memory_space<hbm>>
      %dma_start3A_43 = tpu.memref_squeeze %dma_start3A_42 : memref<1x640x128xf32, #tpu.memory_space<hbm>> -> memref<640x128xf32, #tpu.memory_space<hbm>>
      %dma_start3A_44 = arith.constant 0 : i32
      %dma_start3A_45 = tpu.memref_slice %arg16[%mul3A_7, %dma_start3A_44] : memref<10240x128xf32, #tpu.memory_space<vmem_shared>> -> memref<640x128xf32, #tpu.memory_space<vmem_shared>>
      tpu.enqueue_dma source(%dma_start3A_45 : memref<640x128xf32, #tpu.memory_space<vmem_shared>>) target(%dma_start3A_43 : memref<640x128xf32, #tpu.memory_space<hbm>>) target_semaphore(%run_scoped3A : memref<!tpu.dma_semaphore, #tpu.memory_space<semaphore_mem>>)
      %dma_wait3A = arith.constant 0 : i32
      %dma_wait3A_46 = tpu.memref_slice %arg7[%arg0, %mul3A_7, %dma_wait3A] : memref<2x10240x128xf32, #tpu.memory_space<hbm>> -> memref<1x640x128xf32, #tpu.memory_space<hbm>>
      %dma_wait3A_47 = tpu.memref_squeeze %dma_wait3A_46 : memref<1x640x128xf32, #tpu.memory_space<hbm>> -> memref<640x128xf32, #tpu.memory_space<hbm>>
      %dma_wait3A_48 = arith.constant 0 : i32
      %dma_wait3A_49 = tpu.memref_slice %arg16[%mul3A_7, %dma_wait3A_48] : memref<10240x128xf32, #tpu.memory_space<vmem_shared>> -> memref<640x128xf32, #tpu.memory_space<vmem_shared>>
      tpu.wait_dma2 semaphore(%run_scoped3A : memref<!tpu.dma_semaphore, #tpu.memory_space<semaphore_mem>>) src(%dma_wait3A_49 : memref<640x128xf32, #tpu.memory_space<vmem_shared>>) dst(%dma_wait3A_47 : memref<640x128xf32, #tpu.memory_space<hbm>>)
      tpu.yield
    }) : () -> ()
    %mul3A_38 = arith.constant 40 : i32
    %mul3A_39 = arith.muli %arg1, %mul3A_38 : i32
    %mul3A_40 = arith.constant 40 : i32
    %mul3A_41 = arith.muli %arg1, %mul3A_40 : i32
    "tpu.region"() ({
      %run_scoped3A = tpu.sem_alloc : memref<!tpu.dma_semaphore, #tpu.memory_space<semaphore_mem>>
      %dma_start3A = arith.constant 0 : i32
      %dma_start3A_42 = tpu.memref_slice %arg8[%arg0, %mul3A_41, %dma_start3A] : memref<2x640x128xf32, #tpu.memory_space<hbm>> -> memref<1x40x128xf32, #tpu.memory_space<hbm>>
      %dma_start3A_43 = tpu.memref_squeeze %dma_start3A_42 : memref<1x40x128xf32, #tpu.memory_space<hbm>> -> memref<40x128xf32, #tpu.memory_space<hbm>>
      %dma_start3A_44 = arith.constant 0 : i32
      %dma_start3A_45 = tpu.memref_slice %arg17[%mul3A_39, %dma_start3A_44] : memref<640x128xf32, #tpu.memory_space<vmem_shared>> -> memref<40x128xf32, #tpu.memory_space<vmem_shared>>
      tpu.enqueue_dma source(%dma_start3A_45 : memref<40x128xf32, #tpu.memory_space<vmem_shared>>) target(%dma_start3A_43 : memref<40x128xf32, #tpu.memory_space<hbm>>) target_semaphore(%run_scoped3A : memref<!tpu.dma_semaphore, #tpu.memory_space<semaphore_mem>>)
      %dma_wait3A = arith.constant 0 : i32
      %dma_wait3A_46 = tpu.memref_slice %arg8[%arg0, %mul3A_41, %dma_wait3A] : memref<2x640x128xf32, #tpu.memory_space<hbm>> -> memref<1x40x128xf32, #tpu.memory_space<hbm>>
      %dma_wait3A_47 = tpu.memref_squeeze %dma_wait3A_46 : memref<1x40x128xf32, #tpu.memory_space<hbm>> -> memref<40x128xf32, #tpu.memory_space<hbm>>
      %dma_wait3A_48 = arith.constant 0 : i32
      %dma_wait3A_49 = tpu.memref_slice %arg17[%mul3A_39, %dma_wait3A_48] : memref<640x128xf32, #tpu.memory_space<vmem_shared>> -> memref<40x128xf32, #tpu.memory_space<vmem_shared>>
      tpu.wait_dma2 semaphore(%run_scoped3A : memref<!tpu.dma_semaphore, #tpu.memory_space<semaphore_mem>>) src(%dma_wait3A_49 : memref<40x128xf32, #tpu.memory_space<vmem_shared>>) dst(%dma_wait3A_47 : memref<40x128xf32, #tpu.memory_space<hbm>>)
      tpu.yield
    }) : () -> ()
    return
  }
}

module attributes {stable_mosaic.version = 14 : i64} {
  func.func @_qkv_body(%arg0: memref<10000x128xf32, #tpu.memory_space<vmem>>, %arg1: memref<128x128xf32, #tpu.memory_space<vmem>>, %arg2: memref<128x128xf32, #tpu.memory_space<vmem>>, %arg3: memref<128x128xf32, #tpu.memory_space<vmem>>, %arg4: memref<8x128xf32, #tpu.memory_space<vmem>>, %arg5: memref<10000x128xf32, #tpu.memory_space<vmem>>, %arg6: memref<10000x128xf32, #tpu.memory_space<vmem>>, %arg7: memref<10000x128xf32, #tpu.memory_space<vmem>>) attributes {dimension_semantics = [], scalar_prefetch = 0 : i64, scratch_operands = 0 : i64, tpu.core_type = #tpu.core_type<tc>} {
    %get3A = arith.constant 0 : index
    %get3A_0 = arith.constant 0 : index
    %get3A_1 = vector.load %arg0[%get3A, %get3A_0] : memref<10000x128xf32, #tpu.memory_space<vmem>>, vector<10000x128xf32>
    %get3A_2 = arith.constant 0 : index
    %get3A_3 = arith.constant 0 : index
    %get3A_4 = vector.load %arg1[%get3A_2, %get3A_3] : memref<128x128xf32, #tpu.memory_space<vmem>>, vector<128x128xf32>
    %dot_general3A = arith.constant dense<0.000000e+00> : vector<10000x128xf32>
    %dot_general3A_5 = tpu.matmul %get3A_1, %get3A_4, %dot_general3A {dimension_numbers = #tpu.dot_dimension_numbers<[1], [0], [0], [1], [0, 0, 1, 1], [], []>, transpose_lhs_hint = false} : vector<10000x128xf32>, vector<128x128xf32>, vector<10000x128xf32> -> vector<10000x128xf32>
    %get3A_6 = arith.constant 0 : index
    %get3A_7 = arith.constant 0 : index
    %get3A_8 = vector.load %arg4[%get3A_6, %get3A_7] : memref<8x128xf32, #tpu.memory_space<vmem>>, vector<1x128xf32>
    %add3A = vector.broadcast %get3A_8 : vector<1x128xf32> to vector<10000x128xf32>
    %add3A_9 = arith.addf %dot_general3A_5, %add3A : vector<10000x128xf32>
    %mul3A = arith.constant 0.176776692 : f32
    %mul3A_10 = vector.broadcast %mul3A : f32 to vector<10000x128xf32>
    %mul3A_11 = arith.mulf %add3A_9, %mul3A_10 : vector<10000x128xf32>
    %swap3A = arith.constant 0 : index
    %swap3A_12 = arith.constant 0 : index
    %swap3A_13 = vector.load %arg5[%swap3A, %swap3A_12] : memref<10000x128xf32, #tpu.memory_space<vmem>>, vector<10000x128xf32>
    tpu.vector_store %arg5[%swap3A, %swap3A_12], %mul3A_11 {strides = array<i32>} : memref<10000x128xf32, #tpu.memory_space<vmem>>, vector<10000x128xf32>,
    %get3A_14 = arith.constant 0 : index
    %get3A_15 = arith.constant 0 : index
    %get3A_16 = vector.load %arg2[%get3A_14, %get3A_15] : memref<128x128xf32, #tpu.memory_space<vmem>>, vector<128x128xf32>
    %dot_general3A_17 = arith.constant dense<0.000000e+00> : vector<10000x128xf32>
    %dot_general3A_18 = tpu.matmul %get3A_1, %get3A_16, %dot_general3A_17 {dimension_numbers = #tpu.dot_dimension_numbers<[1], [0], [0], [1], [0, 0, 1, 1], [], []>, transpose_lhs_hint = false} : vector<10000x128xf32>, vector<128x128xf32>, vector<10000x128xf32> -> vector<10000x128xf32>
    %get3A_19 = arith.constant 1 : index
    %get3A_20 = arith.constant 0 : index
    %get3A_21 = vector.load %arg4[%get3A_19, %get3A_20] : memref<8x128xf32, #tpu.memory_space<vmem>>, vector<1x128xf32>
    %add3A_22 = vector.broadcast %get3A_21 : vector<1x128xf32> to vector<10000x128xf32>
    %add3A_23 = arith.addf %dot_general3A_18, %add3A_22 : vector<10000x128xf32>
    %swap3A_24 = arith.constant 0 : index
    %swap3A_25 = arith.constant 0 : index
    %swap3A_26 = vector.load %arg6[%swap3A_24, %swap3A_25] : memref<10000x128xf32, #tpu.memory_space<vmem>>, vector<10000x128xf32>
    tpu.vector_store %arg6[%swap3A_24, %swap3A_25], %add3A_23 {strides = array<i32>} : memref<10000x128xf32, #tpu.memory_space<vmem>>, vector<10000x128xf32>,
    %get3A_27 = arith.constant 0 : index
    %get3A_28 = arith.constant 0 : index
    %get3A_29 = vector.load %arg3[%get3A_27, %get3A_28] : memref<128x128xf32, #tpu.memory_space<vmem>>, vector<128x128xf32>
    %dot_general3A_30 = arith.constant dense<0.000000e+00> : vector<10000x128xf32>
    %dot_general3A_31 = tpu.matmul %get3A_1, %get3A_29, %dot_general3A_30 {dimension_numbers = #tpu.dot_dimension_numbers<[1], [0], [0], [1], [0, 0, 1, 1], [], []>, transpose_lhs_hint = false} : vector<10000x128xf32>, vector<128x128xf32>, vector<10000x128xf32> -> vector<10000x128xf32>
    %get3A_32 = arith.constant 2 : index
    %get3A_33 = arith.constant 0 : index
    %get3A_34 = vector.load %arg4[%get3A_32, %get3A_33] : memref<8x128xf32, #tpu.memory_space<vmem>>, vector<1x128xf32>
    %add3A_35 = vector.broadcast %get3A_34 : vector<1x128xf32> to vector<10000x128xf32>
    %add3A_36 = arith.addf %dot_general3A_31, %add3A_35 : vector<10000x128xf32>
    %swap3A_37 = arith.constant 0 : index
    %swap3A_38 = arith.constant 0 : index
    %swap3A_39 = vector.load %arg7[%swap3A_37, %swap3A_38] : memref<10000x128xf32, #tpu.memory_space<vmem>>, vector<10000x128xf32>
    tpu.vector_store %arg7[%swap3A_37, %swap3A_38], %add3A_36 {strides = array<i32>} : memref<10000x128xf32, #tpu.memory_space<vmem>>, vector<10000x128xf32>,
    return
  }
}

module attributes {stable_mosaic.version = 14 : i64} {
  func.func @_fin_body(%arg0: memref<2x10240x128xf32, #tpu.memory_space<vmem>>, %arg1: memref<2x10240x8xf32, #tpu.memory_space<vmem>>, %arg2: memref<8x128xf32, #tpu.memory_space<vmem>>, %arg3: memref<10240x128xf32, #tpu.memory_space<vmem>>) attributes {dimension_semantics = [], scalar_prefetch = 0 : i64, scratch_operands = 0 : i64, tpu.core_type = #tpu.core_type<tc>} {
    %get3A = arith.constant 0 : index
    %get3A_0 = arith.constant 0 : index
    %get3A_1 = arith.constant 0 : index
    %get3A_2 = vector.load %arg1[%get3A, %get3A_0, %get3A_1] : memref<2x10240x8xf32, #tpu.memory_space<vmem>>, vector<1x10240x8xf32>
    %get3A_3 = vector.shape_cast %get3A_2 : vector<1x10240x8xf32> to vector<10240x8xf32>
    %get3A_4 = arith.constant 1 : index
    %get3A_5 = arith.constant 0 : index
    %get3A_6 = arith.constant 0 : index
    %get3A_7 = vector.load %arg1[%get3A_4, %get3A_5, %get3A_6] : memref<2x10240x8xf32, #tpu.memory_space<vmem>>, vector<1x10240x8xf32>
    %get3A_8 = vector.shape_cast %get3A_7 : vector<1x10240x8xf32> to vector<10240x8xf32>
    %add3A = arith.addf %get3A_3, %get3A_8 : vector<10240x8xf32>
    %get3A_9 = arith.constant 0 : index
    %get3A_10 = arith.constant 0 : index
    %get3A_11 = vector.load %arg2[%get3A_9, %get3A_10] : memref<8x128xf32, #tpu.memory_space<vmem>>, vector<8x128xf32>
    %dot_general3A = arith.constant dense<0.000000e+00> : vector<10240x128xf32>
    %dot_general3A_12 = tpu.matmul %add3A, %get3A_11, %dot_general3A {dimension_numbers = #tpu.dot_dimension_numbers<[1], [0], [0], [1], [0, 0, 1, 1], [], []>, transpose_lhs_hint = false} : vector<10240x8xf32>, vector<8x128xf32>, vector<10240x128xf32> -> vector<10240x128xf32>
    %add3A_13 = arith.constant 1.000000e-16 : f32
    %add3A_14 = vector.broadcast %add3A_13 : f32 to vector<10240x128xf32>
    %add3A_15 = arith.addf %dot_general3A_12, %add3A_14 : vector<10240x128xf32>
    %get3A_16 = arith.constant 0 : index
    %get3A_17 = arith.constant 0 : index
    %get3A_18 = arith.constant 0 : index
    %get3A_19 = vector.load %arg0[%get3A_16, %get3A_17, %get3A_18] : memref<2x10240x128xf32, #tpu.memory_space<vmem>>, vector<1x10240x128xf32>
    %get3A_20 = vector.shape_cast %get3A_19 : vector<1x10240x128xf32> to vector<10240x128xf32>
    %get3A_21 = arith.constant 1 : index
    %get3A_22 = arith.constant 0 : index
    %get3A_23 = arith.constant 0 : index
    %get3A_24 = vector.load %arg0[%get3A_21, %get3A_22, %get3A_23] : memref<2x10240x128xf32, #tpu.memory_space<vmem>>, vector<1x10240x128xf32>
    %get3A_25 = vector.shape_cast %get3A_24 : vector<1x10240x128xf32> to vector<10240x128xf32>
    %add3A_26 = arith.addf %get3A_20, %get3A_25 : vector<10240x128xf32>
    %div3A = arith.divf %add3A_26, %add3A_15 : vector<10240x128xf32>
    %swap3A = arith.constant 0 : index
    %swap3A_27 = arith.constant 0 : index
    %swap3A_28 = vector.load %arg3[%swap3A, %swap3A_27] : memref<10240x128xf32, #tpu.memory_space<vmem>>, vector<10240x128xf32>
    tpu.vector_store %arg3[%swap3A, %swap3A_27], %div3A {strides = array<i32>} : memref<10240x128xf32, #tpu.memory_space<vmem>>, vector<10240x128xf32>,
    return
  }
}

</mosaic_0001>

<sc_bundles>
// kernel: kernel.5.cloned.1.call-start
scs
__scs_entry_jumppad:
0x0: {  	(pc) =	sbr.rel $0x88, $3  }
0x1: {  	(tag) =	ssettag $0x0;
	lr =	simm.s32 $0x1  }
0x2: {  	[smem:$0x3F99] =	sst lr;
	_ =	strace $0xD0000000  }
0x3: {  	_ = 	snop  }
0x4: {  	_ = 	snop  }
0x5: {  	_ = 	snop  }
0x6: {  	_ = 	snop  }
0x7: {  	_ = 	snop  }
__scs_overlays_trampoline_lowered:
0x8: {  	[smem:$0x3FA8] =	sst s0  }
0x9: {  	[smem:$0x3FA9] =	sst s1  }
0xa: {  	[smem:$0x3FAA] =	sst s2  }
0xb: {  	[smem:$0x3FAB] =	sst s3  }
0xc: {  	[smem:$0x3FAC] =	sst s4  }
0xd: {  	[smem:$0x3FAD] =	sst s5  }
0xe: {  	[smem:$0x3FAE] =	sst s6  }
0xf: {  	[smem:$0x3FAF] =	sst s7  }
0x10: {  	[smem:$0x3FB0] =	sst s8  }
0x11: {  	[smem:$0x3FB1] =	sst s9;
	s0 =	simm.s32 @!p0 $0x0  }
0x12: {  	s1 =	sld [smem:$0x3F97];
	s0 =	simm.s32 @p0 $0x1  }
0x13: {  	[smem:$0x3FB2] =	sst s0;
	s0 =	simm.s32 @!p1 $0x0  }
0x14: {  	s2 =	sld [smem:$0x3F96];
	s0 =	simm.s32 @p1 $0x1  }
0x15: {  	[smem:$0x3FB3] =	sst s0;
	s0 =	simm.s32 @!p2 $0x0  }
0x16: {  	s3 =	sld [smem:$0x3FDB];
	s0 =	simm.s32 @p2 $0x1  }
0x17: {  	s4 =	simm.s32 $0x1BF5;
	[smem:$0x3FB5] =	sst s0  }
0x18: {  	s0 =	sld [smem:$0x3F98];
	_ =	swait.ge [sflag:s4], $0x0  }
0x19: {  	s7 =	sld [smem:$0x3F99]  }
0x1a: {  	s8 =	sadd.s32 $0xFFFFE003, lr  }
0x1b: {  	s9 =	sadd.s32 $0xFFFFFEF7, lr;
	s5 =	simm.s32 $0xFFFFFFFF;
	p2 =	slt.u32 s8, $0xFFFFF086  }
0x1c: {  	p1 =	slt.u32 s9, $0xF7A;
	s5 =	simm.s32 @!p2 $0x0  }
0x1d: {  	s5 =	simm.s32 @p1 $0x1;
	p0 =	seq.s32 s7, s2  }
0x1e: {  	s7 =	smul.u32 @!p0 $0xF7A, s2;
	p2 =	seq.s32 @!p0 s5, $0x0  }
0x1f: {  	s9 =	smul.u32 $0xF7A, s1;
	s8 =	simm.s32 @!p0 $0x1BF5;
	p2 =	por !p2, p0  }
0x20: {  	[sflag:s8] =	ssyncset.s32 @!p0 $0xFFFFF086;
	s6 =	sadd.s32 @!p0 s3, s7;
	s7 =	simm.s32 @!p0 $0x108  }
0x21: {  	s3 =	sadd.s32 s3, s9;
	s6 =	sadd.s32 @!p0 $0x88, s6;
	s7 =	simm.s32 @p2 $0x1082  }
0x22: {  	[simem:s7], [sflag:s8] =	dma.local @!p0 [hbm:s6], $0xF7A  }
0x23: {  	s9 =	sor.u32 $0xD0000000, s2;
	s6 =	simm.s32 $0x108;
	_ =	swait.ge @!p0 [sflag:s8], $0x0  }
0x24: {  	s3 =	sadd.s32 $0x88, s3;
	s6 =	simm.s32 @!p1 $0x1082;
	[sflag:s4] =	ssyncset.s32 $0xFFFFF086  }
0x25: {  	[simem:s6], [sflag:s4] =	dma.local [hbm:s3], $0xF7A  }
0x26: {  	[smem:$0x3F99] =	sst s1;
	(tag) =	ssettag s2;
	_ =	strace s9  }
0x27: {  	s1 =	sld [smem:$0x3FA9]  }
0x28: {  	s2 =	sld [smem:$0x3FAA]  }
0x29: {  	s4 =	sld [smem:$0x3FAC]  }
0x2a: {  	p0 =	seq.s32 s5, $0x0;
	s5 =	sld [smem:$0x3FAD]  }
0x2b: {  	s6 =	sld [smem:$0x3FAE]  }
0x2c: {  	s7 =	sld [smem:$0x3FAF]  }
0x2d: {  	s3 =	simm.s32 $0x108;
	s8 =	sld [smem:$0x3FB0]  }
0x2e: {  	s3 =	simm.s32 @!p0 $0x1082;
	s9 =	sld [smem:$0x3FB1]  }
0x2f: {  	lr =	sadd.s32 s0, s3;
	s0 =	sld [smem:$0x3FA8]  }
0x30: {  	s3 =	sld [smem:$0x3FAB]  }
0x31: {  	[smem:$0x3FB4] =	sst s10  }
0x32: {  	s10 =	sld [smem:$0x3FB2];
	_ =	sdelay $0x3  }
0x33: {  	p0 =	seq.s32 s10, $0x1;
	s10 =	sld [smem:$0x3FB4];
	_ =	sdelay $0x3  }
0x34: {  	[smem:$0x3FB4] =	sst s10  }
0x35: {  	s10 =	sld [smem:$0x3FB3];
	_ =	sdelay $0x3  }
0x36: {  	p1 =	seq.s32 s10, $0x1;
	s10 =	sld [smem:$0x3FB4];
	_ =	sdelay $0x3  }
0x37: {  	[smem:$0x3FB4] =	sst s10  }
0x38: {  	s10 =	sld [smem:$0x3FB5]  }
0x39: {  	_ = 	snop;
	(pc) =	sbr.ind lr, $3  }
0x3a: {  	_ = 	snop  }
0x3b: {  	_ = 	snop  }
0x3c: {  	p2 =	seq.s32 s10, $0x1;
	s10 =	sld [smem:$0x3FB4]  }
0x3d: {  	_ =	shalt  }
0x3e: {  	_ =	shalt  }
0x3f: {  	_ =	shalt  }
0x40: {  	_ =	shalt  }
0x41: {  	_ =	shalt  }
0x42: {  	_ =	shalt  }
0x43: {  	_ =	shalt  }
0x44: {  	_ =	shalt  }
0x45: {  	_ =	shalt  }
0x46: {  	_ =	shalt  }
0x47: {  	_ =	shalt  }
0x48: {  	_ =	shalt  }
0x49: {  	_ =	shalt  }
0x4a: {  	_ =	shalt  }
0x4b: {  	_ =	shalt  }
0x4c: {  	_ =	shalt  }
0x4d: {  	_ =	shalt  }
0x4e: {  	_ =	shalt  }
0x4f: {  	_ =	shalt  }
0x50: {  	_ =	shalt  }
0x51: {  	_ =	shalt  }
0x52: {  	_ =	shalt  }
0x53: {  	_ =	shalt  }
0x54: {  	_ =	shalt  }
0x55: {  	_ =	shalt  }
0x56: {  	_ =	shalt  }
0x57: {  	_ =	shalt  }
0x58: {  	_ =	shalt  }
0x59: {  	_ =	shalt  }
0x5a: {  	_ =	shalt  }
0x5b: {  	_ =	shalt  }
0x5c: {  	_ =	shalt  }
0x5d: {  	_ =	shalt  }
0x5e: {  	_ =	shalt  }
0x5f: {  	_ =	shalt  }
0x60: {  	_ =	shalt  }
0x61: {  	_ =	shalt  }
0x62: {  	_ =	shalt  }
0x63: {  	_ =	shalt  }
0x64: {  	_ =	shalt  }
0x65: {  	_ =	shalt  }
0x66: {  	_ =	shalt  }
0x67: {  	_ =	shalt  }
0x68: {  	_ =	shalt  }
0x69: {  	_ =	shalt  }
0x6a: {  	_ =	shalt  }
0x6b: {  	_ =	shalt  }
0x6c: {  	_ =	shalt  }
0x6d: {  	_ =	shalt  }
0x6e: {  	_ =	shalt  }
0x6f: {  	_ =	shalt  }
0x70: {  	_ =	shalt  }
0x71: {  	_ =	shalt  }
0x72: {  	_ =	shalt  }
0x73: {  	_ =	shalt  }
0x74: {  	_ =	shalt  }
0x75: {  	_ =	shalt  }
0x76: {  	_ =	shalt  }
0x77: {  	_ =	shalt  }
0x78: {  	_ =	shalt  }
0x79: {  	_ =	shalt  }
0x7a: {  	_ =	shalt  }
0x7b: {  	_ =	shalt  }
0x7c: {  	_ =	shalt  }
0x7d: {  	_ =	shalt  }
0x7e: {  	_ =	shalt  }
0x7f: {  	_ =	shalt  }
0x80: {  	_ =	shalt  }
0x81: {  	_ =	shalt  }
0x82: {  	_ =	shalt  }
0x83: {  	_ =	shalt  }
0x84: {  	_ =	shalt  }
0x85: {  	_ =	shalt  }
0x86: {  	_ =	shalt  }
0x87: {  	_ =	shalt  }
.Lfunc_end0:
.L_simem_size_0:
called_computation_lowered:
.L_overlay_start_0:
0x88: {  	s2 =	sld [smem:$0x3FD9]  }
0x89: {  	s3 =	sld [smem:$0x3FFE];
	_ =	sdelay $0x1  }
0x8a: {  	s1 =	srdreg.scid  }
0x8b: {  	s0 =	sand.u32 $0x1, s1  }
0x8c: {  	s17 =	sshll.u32 s0, $0xA;
	s2 =	sadd.s32 s3, s2  }
0x8d: {  	s2 =	sadd.s32 s2, s17  }
0x8e: {  	[smem:$0x3FC0] =	sst s2  }
0x8f: {  	_ = 	snop  }
0x90: {  	s2 =	sld [smem:$0x3FD0];
	(tm) =	ssettm $0x1  }
0x91: {  	s18 =	sld [smem:$0x3FFB];
	_ =	sdelay $0x3  }
0x92: {  	_ =	strace s18  }
0x93: {  	s3 =	sld [smem:$0x3FFC];
	_ =	sdelay $0x3  }
0x94: {  	_ =	strace s3  }
0x95: {  	s3 =	sld [smem:$0x3FFD];
	_ =	sdelay $0x3  }
0x96: {  	_ =	strace s3  }
0x97: {  	_ =	strace $0x8FFFFFFF  }
0x98: {  	s19 =	sld [smem:$0x3FDB];
	_ =	sdelay $0x1  }
0x99: {  	s4 =	simm.s32 $_scs_section_size  }
0x9a: {  	s5 =	simm.s32 $_size__tile_overlayer_lowered;
	s6 =	simm.s32 $_tile_overlayer_lowered  }
0x9b: {  	s22 =	simm.s32 $0x1BFF;
	s21 =	sshll.u32 s6, $0x1;
	s3 =	sadd.s32 s4, s19  }
0x9c: {  	s7 =	simm.s32 $0x0;
	s20 =	sshll.u32 s5, $0x1;
	s5 =	sadd.s32 s21, s3  }
0x9d: {  	[timem:s7], [sflag:s22] =	dma.local [hbm:s5], s20  }
0x9e: {  	_ =	swait.ge [sflag:s22], s20  }
0x9f: {  	s4 =	ssub.s32 $0x0, s20;
	[sflag:s22] =	ssyncset.done $0x0  }
0xa0: {  	[sflag:s22] =	ssyncadd.s32 s4;
	_ =	sdelay $0x1  }
0xa1: {  	s23 =	simm.s32 $0x1B8B  }
0xa2: {  	_ =	swait.ge [sflag:s23], $0x1  }
0xa3: {  	[sflag:s23] =	ssyncset.done $0x0  }
0xa4: {  	s25 =	simm.s32 $0x1B8E;
	s24 =	sld [smem:$0x3FFE];
	[sflag:s23] =	ssyncadd.s32 $0xFFFFFFFF  }
0xa5: {  	s26 =	simm.s32 $execute0_lowered;
	[smem:$0x3FD2] =	sst s25  }
0xa6: {  	s5 =	sshll.u32 s26, $0x1;
	_ =	strace $0x80000046;
	[dreg:$0x1] =	wrdreg $0xFFFFFFFF  }
0xa7: {  	s28 =	simm.s32 $_size_execute0_lowered;
	s3 =	sadd.s32 s3, s5;
	[dreg:$0x0] =	wrdreg $0x0  }
0xa8: {  	s5 =	sshll.u32 s28, $0x1;
	[dreg:$0x2] =	wrdreg s3  }
0xa9: {  	[dreg:$0x3] =	wrdreg s5  }
0xaa: {  	[dreg:$0x4] =	wrdreg $0xC0  }
0xab: {  	_ =	task [dreg:s7], $0x5FFFF  }
0xac: {  	[dreg:$0x1] =	wrdreg $0xFFFFFFFF  }
0xad: {  	[dreg:$0x0] =	wrdreg $0x60  }
0xae: {  	[dreg:$0x2] =	wrdreg s2  }
0xaf: {  	[dreg:$0x3] =	wrdreg s24  }
0xb0: {  	[dreg:$0x4] =	wrdreg $0xA1800  }
0xb1: {  	[dreg:$0x5] =	wrdreg $0x1E1800  }
0xb2: {  	[dreg:$0x6] =	wrdreg $0x9  }
0xb3: {  	_ =	task.clear_ibuf [dreg:s7], $0x7FFFF;
	_ =	strace $0x90000046  }
0xb4: {  	s29 =	simm.s32 $0x9;
	_ =	strace $0x80000048  }
0xb5: {  	_ =	swait.ge [sflag:s29], $0x1  }
0xb6: {  	[sflag:s29] =	ssyncadd.s32 $0xFFFFFFFF  }
0xb7: {  	_ =	strace $0x90000048  }
0xb8: {  	_ =	sfence  }
0xb9: {  	s30 =	sld [smem:$0x0];
	_ =	sdelay $0x2  }
0xba: {  	s31 =	sshll.u32 s1, $0xD;
	s1 =	sshrl.u32 s1, $0x2  }
0xbb: {  	s3 =	sand.u32 $0x4000, s31;
	s1 =	sadd.s32 s1, s30  }
0xbc: {  	s0 =	sor.u32 s3, s0;
	s1 =	sshll.u32 s1, $0x11  }
0xbd: {  	s0 =	sor.u32 s1, s0  }
0xbe: {  	s0 =	sadd.s32 $0x8F2B, s0  }
0xbf: {  	[sflag:s0] =	ssyncadd.remote.s32 $0x1  }
0xc0: {  	_ =	sfence.sel $0xFFFF  }
0xc1: {  	[dreg:$0x0] =	wrdreg $0xFFFFFFFF;
	(pc) =	sbr.abs _section_cstart, $3  }
0xc2: {  	[dreg:$0x1] =	wrdreg $0xFFFFFFFF  }
0xc3: {  	_ =	task.clear_ibuf [dreg:s7], $0x2FFFF;
	_ =	strace $0x9FFFFFFF  }
0xc4: {  	(tm) =	ssettm $0x7FFFFFFF  }
0xc5: {  	_ =	shalt  }
tec
execute0_lowered:
.L_overlay_start_1:
0x0: {  	(tag) =	ssettag $0x1  }
0x1: {  	s1 =	rddreg [dreg:$0x0]  }
0x2: {  	s0 =	rddreg [dreg:$0x1]  }
0x3: {  	s2 =	rddreg [dreg:$0x2]  }
0x4: {  	s3 =	rddreg [dreg:$0x3];
	s15 =	stileid.u32  }
0x5: {  	s5 =	simm.s32 $0x0;
	s4 =	srdreg.scid;
	s10 =	smul.u32 $0x14000, s15  }
0x6: {  	s28 =	simm.s32 $0x50;
	s29 =	simm.s32 $0x2980;
	s12 =	smul.u32 $0x1400, s15  }
0x7: {  	s30 =	simm.s32 $0x1;
	s31 =	simm.s32 $0x2;
	s13 =	smul.u32 $0x50000, s15  }
0x8: {  	[smem:$0x7FF] =	sst s5;
	s4 =	sand.u32 $0x1, s4;
	s21 =	smul.u32 $0x5000, s15  }
0x9: {  	s6 =	sadd.s32 $0x15400, s0;
	s7 =	sadd.s32 $0x3C600, s0;
	s9 =	smul.u32 $0x140000, s4  }
0xa: {  	s8 =	sadd.s32 $0xB600, s0;
	_ =	strace $0x80000047;
	s11 =	smul.u32 $0x14000, s4  }
0xb: {  	s17 =	ssub.s32 $0x2, s4;
	s4 =	sshll.u32 s4, $0x4;
	s10 =	sadd.s32 s10, s9  }
0xc: {  	s13 =	sshrl.u32 s13, $0x2;
	s16 =	sadd.s32 s12, s11;
	s10 =	sshrl.u32 s10, $0x3  }
0xd: {  	s9 =	sadd.s32 $0x1800, s0;
	s14 =	sadd.s32 s10, s0;
	s10 =	sshrl.u32 s16, $0x3  }
0xe: {  	v2 =	vlaneseq.u32;
	s0 =	sadd.s32 s10, s0;
	s10 =	sadd.s32 s13, s2;
	s26 =	sadd.s32 $0x68800, s14  }
0xf: {  	v0 =	vimm.f32 $0.0e+00;
	v1 =	vimm.s32 $0xF;
	vm0 =	vmmov $0x1;
	s18 =	sshrl.u32 s17, $0x1;
	s19 =	sadd.s32 $0x2800, s10;
	[dreg:$0xc] =	wrdreg s26  }
0x10: {  	vm1 =	vcmask $0x310;
	vm2 =	vcmask $0x710;
	v2 =	vmul.u32 $0x80, v2;
	s4 =	sor.u32 s15, s4;
	s20 =	sadd.s32 $0x5000, s10;
	[dreg:$0x5] =	wrdreg s19  }
0x11: {  	vm3 =	vcmask $0xB10;
	v22 =	vimm.s32 $0x0;
	v23 =	vimm.s32 $0x1;
	s11 =	ssub.s32 s17, s18;
	s13 =	sadd.s32 $0x7800, s10;
	[dreg:$0x6] =	wrdreg s20  }
0x12: {  	v24 =	vimm.s32 $0x2;
	v25 =	vimm.s32 $0x3;
	v3 =	vor.u32 $0x1, v2;
	s12 =	sshrl.u32 s21, $0x2;
	s22 =	sadd.s32 $0xA000, s10;
	[dreg:$0x7] =	wrdreg s13  }
0x13: {  	v4 =	vor.u32 $0x2, v2;
	v5 =	vor.u32 $0x3, v2;
	v6 =	vor.u32 $0x800, v2;
	s18 =	sadd.s32 s12, s3;
	s23 =	sadd.s32 $0xC800, s10;
	[dreg:$0x8] =	wrdreg s22  }
0x14: {  	v7 =	vor.u32 $0x801, v2;
	v8 =	vor.u32 $0x802, v2;
	v9 =	vor.u32 $0x803, v2;
	s24 =	sadd.s32 $0xF000, s10;
	s25 =	sadd.s32 $0x11800, s10;
	[dreg:$0x9] =	wrdreg s23  }
0x15: {  	v10 =	vor.u32 $0x1000, v2;
	v11 =	vor.u32 $0x1001, v2;
	v12 =	vor.u32 $0x1002, v2;
	s21 =	sadd.s32 $0x63800, s0;
	s26 =	simm.s32 $0x80;
	[dreg:$0xa] =	wrdreg s24  }
0x16: {  	v13 =	vor.u32 $0x1003, v2;
	v14 =	vor.u32 $0x1800, v2;
	v15 =	vor.u32 $0x1801, v2;
	s0 =	simm.s32 $0x7980;
	[dreg:$0xb] =	wrdreg s25;
	s19 =	smul.u32 $0x2710, s4  }
0x17: {  	v16 =	vor.u32 $0x1802, v2;
	v17 =	vor.u32 $0x1803, v2;
	v18 =	vor.u32 $0x2000, v2;
	s22 =	smax.u32 s11, $0x1;
	s23 =	simm.s32 $0x180;
	s24 =	simm.s32 $0x3  }
0x18: {  	v19 =	vor.u32 $0x2001, v2;
	v20 =	vor.u32 $0x2002, v2;
	v21 =	vor.u32 $0x2003, v2;
	s25 =	simm.s32 $0x5180;
	s4 =	simm.s32 $0x100;
	s11 =	simm.s32 $0x0  }
.LBB2_1:
0x19: {  	s12 =	simm.s32 $0x0;
	s13 =	simm.s32 $0x200  }
.LBB2_2:
0x1a: {  	p0 =	sne.s32 s13, $0x9E00;
	[tilespmem:s12+$0x51F0] =	vst v0  }
0x1b: {  	[tilespmem:s12+$0x180] =	vst v0  }
0x1c: {  	[tilespmem:s12+$0x5180] =	vst v0  }
0x1d: {  	[tilespmem:s12+$0x190] =	vst v0  }
0x1e: {  	[tilespmem:s12+$0x5190] =	vst v0  }
0x1f: {  	[tilespmem:s12+$0x1A0] =	vst v0  }
0x20: {  	[tilespmem:s12+$0x51A0] =	vst v0  }
0x21: {  	[tilespmem:s12+$0x1B0] =	vst v0  }
0x22: {  	[tilespmem:s12+$0x51B0] =	vst v0  }
0x23: {  	[tilespmem:s12+$0x1C0] =	vst v0  }
0x24: {  	[tilespmem:s12+$0x51C0] =	vst v0  }
.Ltmp0:
0x25: {  	[tilespmem:s12+$0x1D0] =	vst v0;
	(pc) =	sbr.rel @p0 .LBB2_2-.Ltmp0, $4  }
0x26: {  	[tilespmem:s12+$0x51D0] =	vst v0  }
0x27: {  	[tilespmem:s12+$0x1E0] =	vst v0  }
0x28: {  	[tilespmem:s12+$0x51E0] =	vst v0  }
0x29: {  	[tilespmem:s12+$0x1F0] =	vst v0;
	s12 =	sshra.s32 s13, $0x2;
	s13 =	sadd.s32 $0x200, s13  }
0x2a: {  	[tilespmem:s12+$0x51F0] =	vst v0  }
0x2b: {  	[tilespmem:s12+$0x180] =	vst v0  }
0x2c: {  	[tilespmem:s12+$0x5180] =	vst v0  }
0x2d: {  	[tilespmem:s12+$0x190] =	vst v0  }
0x2e: {  	[tilespmem:s12+$0x5190] =	vst v0  }
0x2f: {  	[tilespmem:s12+$0x1A0] =	vst v0  }
0x30: {  	[tilespmem:s12+$0x51A0] =	vst v0  }
0x31: {  	[tilespmem:s12+$0x1B0] =	vst v0  }
0x32: {  	[tilespmem:s12+$0x51B0] =	vst v0  }
0x33: {  	[tilespmem:s12+$0x1C0] =	vst v0  }
0x34: {  	[tilespmem:s12+$0x51C0] =	vst v0  }
0x35: {  	[tilespmem:s12+$0x1D0] =	vst v0  }
0x36: {  	[tilespmem:s12+$0x51D0] =	vst v0  }
0x37: {  	[tilespmem:s12+$0x1E0] =	vst v0  }
0x38: {  	[tilespmem:s12+$0x51E0] =	vst v0  }
0x39: {  	[tilespmem:s12+$0x1F0] =	vst v0  }
0x3a: {  	[spmem:s10] =	stream.linear.scatter [tilespmem:s23], [sflag:$0x3], $0x2800, $0x38;
	[tilespmem:$0x1F580] =	vst v63  }
0x3b: {  	_ =	swait.ge [sflag:s24], $0x2800  }
0x3c: {  	[sflag:s24] =	ssyncset.done $0x0  }
0x3d: {  	s20 =	rddreg [dreg:$0x5];
	[sflag:s24] =	ssyncadd.s32 $0xFFFFD800  }
0x3e: {  	[spmem:s20] =	stream.linear.scatter [tilespmem:s23], [sflag:$0x3], $0x2800, $0x38;
	[tilespmem:$0x1F580] =	vst v63  }
0x3f: {  	_ =	swait.ge [sflag:s24], $0x2800  }
0x40: {  	[sflag:s24] =	ssyncset.done $0x0  }
0x41: {  	s13 =	rddreg [dreg:$0x6];
	[sflag:s24] =	ssyncadd.s32 $0xFFFFD800  }
0x42: {  	[spmem:s13] =	stream.linear.scatter [tilespmem:s23], [sflag:$0x3], $0x2800, $0x38;
	[tilespmem:$0x1F580] =	vst v63  }
0x43: {  	_ =	swait.ge [sflag:s24], $0x2800  }
0x44: {  	[sflag:s24] =	ssyncset.done $0x0  }
0x45: {  	s14 =	rddreg [dreg:$0x7];
	[sflag:s24] =	ssyncadd.s32 $0xFFFFD800  }
0x46: {  	[spmem:s14] =	stream.linear.scatter [tilespmem:s23], [sflag:$0x3], $0x2800, $0x38;
	[tilespmem:$0x1F580] =	vst v63  }
0x47: {  	_ =	swait.ge [sflag:s24], $0x2800  }
0x48: {  	[sflag:s24] =	ssyncset.done $0x0  }
0x49: {  	s15 =	rddreg [dreg:$0x8];
	[sflag:s24] =	ssyncadd.s32 $0xFFFFD800  }
0x4a: {  	[spmem:s15] =	stream.linear.scatter [tilespmem:s23], [sflag:$0x3], $0x2800, $0x38;
	[tilespmem:$0x1F580] =	vst v63  }
0x4b: {  	_ =	swait.ge [sflag:s24], $0x2800  }
0x4c: {  	[sflag:s24] =	ssyncset.done $0x0  }
0x4d: {  	s16 =	rddreg [dreg:$0x9];
	[sflag:s24] =	ssyncadd.s32 $0xFFFFD800  }
0x4e: {  	[spmem:s16] =	stream.linear.scatter [tilespmem:s23], [sflag:$0x3], $0x2800, $0x38;
	[tilespmem:$0x1F580] =	vst v63  }
0x4f: {  	_ =	swait.ge [sflag:s24], $0x2800  }
0x50: {  	[sflag:s24] =	ssyncset.done $0x0  }
0x51: {  	s17 =	rddreg [dreg:$0xa];
	[sflag:s24] =	ssyncadd.s32 $0xFFFFD800  }
0x52: {  	[spmem:s17] =	stream.linear.scatter [tilespmem:s23], [sflag:$0x3], $0x2800, $0x38;
	[tilespmem:$0x1F580] =	vst v63  }
0x53: {  	_ =	swait.ge [sflag:s24], $0x2800  }
0x54: {  	[sflag:s24] =	ssyncset.done $0x0  }
0x55: {  	s20 =	rddreg [dreg:$0xb];
	[sflag:s24] =	ssyncadd.s32 $0xFFFFD800  }
0x56: {  	[spmem:s20] =	stream.linear.scatter [tilespmem:s23], [sflag:$0x3], $0x2800, $0x38;
	[tilespmem:$0x1F580] =	vst v63  }
0x57: {  	_ =	swait.ge [sflag:s24], $0x2800  }
0x58: {  	[sflag:s24] =	ssyncset.done $0x0  }
0x59: {  	[sflag:s24] =	ssyncadd.s32 $0xFFFFD800  }
0x5a: {  	[spmem:s18] =	stream.linear.scatter [tilespmem:s25], [sflag:$0x3], $0x1400, $0x38;
	[tilespmem:$0x1F580] =	vst v63  }
0x5b: {  	_ =	swait.ge [sflag:s24], $0x1400  }
0x5c: {  	[sflag:s24] =	ssyncset.done $0x0  }
0x5d: {  	[sflag:s24] =	ssyncadd.s32 $0xFFFFEC00  }
0x5e: {  	s12 =	simm.s32 $0x0;
	s13 =	simm.s32 $0x0;
	[bflag:$0x0] =	sbarrier.arrive $0xFFFF  }
.LBB2_4:
0x5f: {  	s14 =	smul.u32 $0x50, s13;
	_ =	sdelay $0x1  }
0x60: {  	s14 =	sadd.s32 s19, s14  }
0x61: {  	s14 =	sshrl.u32 s14, $0x3  }
0x62: {  	s15 =	sadd.s32 s8, s14  }
0x63: {  	[tilespmem:s12], [sflag:$0x3] =	stream.linear.gather [hbm4b:s15+s12], $0x50, $0x38;
	[tilespmem:$0x1F580] =	vst v63  }
0x64: {  	_ =	swait.ge [sflag:s24], $0x50  }
0x65: {  	[sflag:s24] =	ssyncset.done $0x0  }
0x66: {  	s14 =	sadd.s32 s9, s14;
	[sflag:s24] =	ssyncadd.s32 $0xFFFFFFB0  }
0x67: {  	[tilespmem:s26], [sflag:$0x3] =	stream.linear.gather [hbm4b:s14+s12], $0x50, $0x38;
	[tilespmem:$0x1F580] =	vst v63  }
0x68: {  	_ =	swait.ge [sflag:s24], $0x50  }
0x69: {  	[sflag:s24] =	ssyncset.done $0x0  }
0x6a: {  	[sflag:s24] =	ssyncadd.s32 $0xFFFFFFB0  }
0x6b: {  	v26 =	vld [tilespmem:$0x0]  }
0x6c: {  	v27 =	vld [tilespmem:$0x10]  }
0x6d: {  	v28 =	vld [tilespmem:$0x20]  }
0x6e: {  	v29 =	vld [tilespmem:$0x30]  }
0x6f: {  	v30 =	vld [tilespmem:$0x40]  }
0x70: {  	v26 =	vshra.s32 v26, $0x4  }
0x71: {  	[tilespmem:$0x100] =	vst v26;
	v26 =	vshra.s32 v27, $0x4  }
0x72: {  	[tilespmem:$0x110] =	vst v26;
	v26 =	vshra.s32 v28, $0x4  }
0x73: {  	[tilespmem:$0x120] =	vst v26;
	v26 =	vshra.s32 v29, $0x4  }
0x74: {  	[tilespmem:$0x130] =	vst v26;
	v26 =	vshra.s32 v30, $0x4  }
0x75: {  	[tilespmem:$0x140] =	vst v26  }
0x76: {  	[tilespmem:s23], [sflag:$0x1] =	stream.indirect.gather [hbm4b:s1+s28], $0x80, s12, s28, $0xb8;
	[tilespmem:$0x1F580] =	vst v63  }
0x77: {  	_ = 	snop  }
0x78: {  	[tilespmem:s29], [sflag:$0x2] =	stream.indirect.gather [hbm4b:s6+s28], $0x80, s26, s28, $0xb8;
	[tilespmem:$0x1F580] =	vst v63  }
0x79: {  	_ =	swait.ge [sflag:s30], $0x2800  }
0x7a: {  	[sflag:s30] =	ssyncset.done $0x0  }
0x7b: {  	[sflag:s30] =	ssyncadd.s32 $0xFFFFD800  }
0x7c: {  	_ =	swait.ge [sflag:s31], $0x2800  }
0x7d: {  	[sflag:s31] =	ssyncset.done $0x0  }
0x7e: {  	s14 =	simm.s32 $0x0;
	[sflag:s31] =	ssyncadd.s32 $0xFFFFD800  }
0x7f: {  	v26 =	vld [tilespmem:s14+$0x1C0]  }
0x80: {  	v27 =	vld [tilespmem:s14+$0x29C0]  }
0x81: {  	v28 =	vld [tilespmem:s14+$0x1D0]  }
0x82: {  	v29 =	vld [tilespmem:s14+$0x29D0]  }
0x83: {  	v30 =	vld [tilespmem:s14+$0x1A0]  }
0x84: {  	v31 =	vld [tilespmem:s14+$0x29A0]  }
0x85: {  	v32 =	vld [tilespmem:s14+$0x1B0]  }
0x86: {  	v33 =	vld [tilespmem:s14+$0x29B0]  }
0x87: {  	v34 =	vld [tilespmem:s14+$0x180]  }
0x88: {  	v35 =	vld [tilespmem:s14+$0x2980]  }
0x89: {  	v36 =	vld [tilespmem:s14+$0x190]  }
0x8a: {  	v37 =	vld [tilespmem:s14+$0x2990]  }
0x8b: {  	v38 =	vld [tilespmem:s14+$0x1E0]  }
0x8c: {  	v39 =	vld [tilespmem:s14+$0x29E0]  }
0x8d: {  	v40 =	vld [tilespmem:s14+$0x1F0]  }
0x8e: {  	s15 =	simm.s32 $0x80;
	v41 =	vld [tilespmem:s14+$0x29F0]  }
0x8f: {  	v42 =	vld [tilespmem:s15+$0x1C0];
	v26 =	vmul.f32 v27, v26;
	v27 =	vmul.f32 v29, v28  }
0x90: {  	v43 =	vld [tilespmem:s15+$0x29C0];
	v29 =	vmul.f32 v31, v30;
	v30 =	vmul.f32 v33, v32  }
0x91: {  	v61 =	vld [tilespmem:s15+$0x1A0];
	v60 =	vmul.f32 v37, v36;
	v26 =	vadd.f32 v27, v26;
	v27 =	vmul.f32 v35, v34  }
0x92: {  	v63 =	vld [tilespmem:s15+$0x180];
	v29 =	vadd.f32 v30, v29  }
0x93: {  	v44 =	vld [tilespmem:s15+$0x2980];
	(xrf2) =	vadd.scan.msk.f32 $0xffff, v26;
	v26 =	vadd.f32 v60, v27  }
0x94: {  	v28 =	vld [tilespmem:s15+$0x1D0];
	(xrf2) =	vadd.scan.msk.f32 $0xffff, v29  }
0x95: {  	v31 =	vld [tilespmem:s15+$0x29D0];
	v62 =	vmul.f32 v39, v38;
	(xrf2) =	vadd.scan.msk.f32 $0xffff, v26;
	v26 =	vmul.f32 v41, v40  }
0x96: {  	v30 =	vld [tilespmem:s15+$0x29A0]  }
0x97: {  	v27 =	vld [tilespmem:s15+$0x1B0];
	v26 =	vadd.f32 v26, v62  }
0x98: {  	v29 =	vld [tilespmem:s15+$0x29B0]  }
0x99: {  	v45 =	vld [tilespmem:s15+$0x190];
	(xrf2) =	vadd.scan.msk.f32 $0xffff, v26  }
0x9a: {  	v46 =	vld [tilespmem:s15+$0x2990];
	v48 =	vmul.f32 v43, v42;
	v28 =	vmul.f32 v31, v28  }
0x9b: {  	s16 =	simm.s32 $0x100;
	v47 =	vld [tilespmem:s15+$0x29E0]  }
0x9c: {  	v50 =	vld [tilespmem:s16+$0x1C0];
	v28 =	vadd.f32 v28, v48  }
0x9d: {  	v52 =	vld [tilespmem:s16+$0x1D0];
	v30 =	vmul.f32 v30, v61;
	v27 =	vmul.f32 v29, v27  }
0x9e: {  	v26 =	vld [tilespmem:s15+$0x1E0];
	v49, _, _ =	vpop (xrf2)  }
0x9f: {  	v32 =	vmul.f32 v46, v45;
	v34 =	vmul.f32 v44, v63;
	v31 =	vld [tilespmem:s15+$0x1F0];
	v27 =	vadd.f32 v27, v30;
	v51, _, _ =	vpop (xrf2);
	(xrf2) =	vadd.scan.msk.f32 $0xffff, v28  }
0xa0: {  	v29 =	vld [tilespmem:s15+$0x29F0];
	v28, _, _ =	vpop (xrf2)  }
0xa1: {  	v54 =	vld [tilespmem:s16+$0x1A0];
	v32 =	vadd.f32 v32, v34;
	(xrf2) =	vadd.scan.msk.f32 $0xffff, v27;
	v27 =	vperm.xlane v28, v1  }
0xa2: {  	v55 =	vld [tilespmem:s16+$0x29A0];
	v53 =	vperm.xlane v51, v1  }
0xa3: {  	v30 =	vld [tilespmem:s16+$0x29C0];
	v26 =	vmul.f32 v47, v26;
	v33 =	vperm.xlane v49, v1;
	(xrf2) =	vadd.scan.msk.f32 $0xffff, v32;
	v27 =	vmin.f32 v27, $6.000000000e+01;
	v56, _, _ =	vpop (xrf2)  }
0xa4: {  	v28 =	vld [tilespmem:s16+$0x29D0];
	v35 =	vmin.f32 v53, $6.000000000e+01;
	v27 =	vmul.f32 $1.442695020e+00, v27;
	v37 =	vperm.xlane v56, v1  }
0xa5: {  	v57 =	vld [tilespmem:s16+$0x1B0];
	v59 =	vmul.f32 v29, v31;
	v29 =	vmin.f32 v33, $6.000000000e+01;
	v35 =	vmul.f32 $1.442695020e+00, v35  }
0xa6: {  	v58 =	vld [tilespmem:s16+$0x29B0];
	v33 =	vmul.f32 $1.442695020e+00, v29;
	(erf) = vpow2.f32 v27;
	v31 =	vmin.f32 v37, $6.000000000e+01  }
0xa7: {  	v62 =	vadd.f32 v59, v26;
	v29 =	vld [tilespmem:s16+$0x2980];
	(erf) = vpow2.f32 v35;
	v60 =	vmul.f32 $1.442695020e+00, v31  }
0xa8: {  	v61 =	vmul.f32 v30, v50;
	v27 =	vld [tilespmem:s16+$0x180];
	(erf) = vpow2.f32 v33  }
0xa9: {  	v63 =	vmul.f32 v28, v52;
	v31 =	vld [tilespmem:s16+$0x190];
	v26, _, _ =	vpop (xrf2);
	(xrf2) =	vadd.scan.msk.f32 $0xffff, v62;
	(erf) = vpow2.f32 v60  }
0xaa: {  	v33 =	vld [tilespmem:s16+$0x2990]  }
0xab: {  	v30 =	vld [tilespmem:s16+$0x1E0];
	v34 =	vadd.f32 v63, v61  }
0xac: {  	s17 =	simm.s32 $0x600;
	v36 =	vmul.f32 v58, v57;
	v32 =	vld [tilespmem:s16+$0x29E0];
	v35 =	vmul.f32 v55, v54;
	v28, _, _ =	vpop (xrf2)  }
.LBB2_5:
0xad: {  	p0 =	sne.s32 s17, $0x9E00;
	v37 =	vld [tilespmem:s16+$0x1F0];
	(xrf2) =	vadd.scan.msk.f32 $0xffff, v34;
	v34, _, _ =	vpop (xrf2)  }
0xae: {  	s20 =	sshra.s32 s17, $0x2;
	v39 =	vadd.f32 v36, v35;
	v36 =	vld [tilespmem:s16+$0x29F0]  }
0xaf: {  	v27 =	vmul.f32 v29, v27;
	v38 =	vld [tilespmem:s20+$0x1C0];
	v29 =	vmul.f32 v33, v31;
	v31 =	vpop (erf)  }
0xb0: {  	v33 =	vld [tilespmem:s20+$0x29C0];
	(xrf2) =	vadd.scan.msk.f32 $0xffff, v39;
	v31 =	vnsel vm0, $0x0, v31;
	v35 =	vpop (erf)  }
0xb1: {  	v41 =	vperm.xlane v34, v1;
	v39 =	vld [tilespmem:s20+$0x1D0];
	v27 =	vadd.f32 v29, v27;
	v31 =	vsel vm1, v31, v35;
	v34 =	vpop (erf)  }
0xb2: {  	v28 =	vperm.xlane v28, v1;
	v30 =	vmul.f32 v32, v30;
	v35 =	vld [tilespmem:s20+$0x29D0];
	v31 =	vsel vm2, v31, v34;
	v32 =	vpop (erf)  }
0xb3: {  	v26 =	vperm.xlane v26, v1;
	v40 =	vld [tilespmem:s20+$0x1A0];
	(xrf2) =	vadd.scan.msk.f32 $0xffff, v27;
	v27 =	vmin.f32 v41, $6.000000000e+01;
	v29, _, _ =	vpop (xrf2);
	v31 =	vsel vm3, v31, v32  }
0xb4: {  	v28 =	vmin.f32 v28, $6.000000000e+01;
	v32 =	vld [tilespmem:s20+$0x29A0];
	v27 =	vmul.f32 $1.442695020e+00, v27;
	v29 =	vperm.xlane v29, v1;
	[tilespmem:s14+$0x7980] =	vst v31;
	s14 =	smov.u32 s15;
	s15 =	smov.u32 s16;
	s16 =	smov.u32 s20  }
0xb5: {  	v28 =	vmul.f32 $1.442695020e+00, v28;
	v31 =	vmul.f32 v36, v37;
	v37 =	vmin.f32 v26, $6.000000000e+01;
	v41 =	vld [tilespmem:s16+$0x1B0]  }
0xb6: {  	v34 =	vmul.f32 $1.442695020e+00, v37;
	v36 =	vld [tilespmem:s16+$0x29B0];
	v29 =	vmin.f32 v29, $6.000000000e+01;
	(erf) = vpow2.f32 v27  }
0xb7: {  	v30 =	vadd.f32 v31, v30;
	v27 =	vld [tilespmem:s16+$0x180];
	v26, _, _ =	vpop (xrf2);
	v37 =	vmul.f32 $1.442695020e+00, v29;
	(erf) = vpow2.f32 v28  }
.Ltmp1:
0xb8: {  	v38 =	vmul.f32 v33, v38;
	v29 =	vld [tilespmem:s16+$0x2980];
	(erf) = vpow2.f32 v34;
	(pc) =	sbr.rel @p0 .LBB2_5-.Ltmp1, $4  }
0xb9: {  	v34 =	vmul.f32 v35, v39;
	v31 =	vld [tilespmem:s16+$0x190];
	(xrf2) =	vadd.scan.msk.f32 $0xffff, v30;
	(erf) = vpow2.f32 v37  }
0xba: {  	v33 =	vld [tilespmem:s16+$0x2990];
	v28, _, _ =	vpop (xrf2)  }
0xbb: {  	v34 =	vadd.f32 v34, v38;
	v30 =	vld [tilespmem:s16+$0x1E0]  }
0xbc: {  	s17 =	sadd.s32 $0x200, s17;
	v35 =	vmul.f32 v32, v40;
	v36 =	vmul.f32 v36, v41;
	v32 =	vld [tilespmem:s16+$0x29E0]  }
0xbd: {  	v37 =	vld [tilespmem:s16+$0x1F0]  }
0xbe: {  	v38 =	vld [tilespmem:s16+$0x29F0];
	_ =	sdelay $0x2  }
0xbf: {  	v27 =	vmul.f32 v29, v27;
	v29 =	vmul.f32 v33, v31  }
0xc0: {  	v31 =	vadd.f32 v36, v35  }
0xc1: {  	(xrf2) =	vadd.scan.msk.f32 $0xffff, v34;
	v27 =	vadd.f32 v29, v27;
	v29 =	vmul.f32 v32, v30;
	v30 =	vmul.f32 v38, v37  }
0xc2: {  	(xrf2) =	vadd.scan.msk.f32 $0xffff, v31  }
0xc3: {  	(xrf2) =	vadd.scan.msk.f32 $0xffff, v27;
	v27 =	vadd.f32 v30, v29;
	_ =	sdelay $0x3  }
0xc4: {  	(xrf2) =	vadd.scan.msk.f32 $0xffff, v27;
	v27, _, _ =	vpop (xrf2)  }
0xc5: {  	v27 =	vperm.xlane v27, v1;
	_ =	sdelay $0x1  }
0xc6: {  	v27 =	vmin.f32 v27, $6.000000000e+01  }
0xc7: {  	v28 =	vperm.xlane v28, v1;
	v27 =	vmul.f32 $1.442695020e+00, v27  }
0xc8: {  	v26 =	vperm.xlane v26, v1;
	v29, _, _ =	vpop (xrf2)  }
0xc9: {  	v28 =	vmin.f32 v28, $6.000000000e+01;
	v29 =	vperm.xlane v29, v1;
	v30, _, _ =	vpop (xrf2)  }
0xca: {  	v26 =	vmin.f32 v26, $6.000000000e+01;
	v28 =	vmul.f32 $1.442695020e+00, v28;
	v31, _, _ =	vpop (xrf2)  }
0xcb: {  	v26 =	vmul.f32 $1.442695020e+00, v26;
	v29 =	vmin.f32 v29, $6.000000000e+01;
	(erf) = vpow2.f32 v27;
	v27, _, _ =	vpop (xrf2)  }
0xcc: {  	v29 =	vmul.f32 $1.442695020e+00, v29;
	v27 =	vperm.xlane v27, v1  }
0xcd: {  	(erf) = vpow2.f32 v28;
	v28 =	vperm.xlane v31, v1  }
0xce: {  	(erf) = vpow2.f32 v26;
	v26 =	vmin.f32 v27, $6.000000000e+01;
	v27 =	vperm.xlane v30, v1;
	v30, _, _ =	vpop (xrf2)  }
0xcf: {  	v28 =	vmin.f32 v28, $6.000000000e+01;
	v26 =	vmul.f32 $1.442695020e+00, v26;
	v30 =	vperm.xlane v30, v1  }
0xd0: {  	v28 =	vmul.f32 $1.442695020e+00, v28;
	v27 =	vmin.f32 v27, $6.000000000e+01  }
0xd1: {  	(erf) = vpow2.f32 v29;
	v27 =	vmul.f32 $1.442695020e+00, v27;
	v29 =	vmin.f32 v30, $6.000000000e+01  }
0xd2: {  	(erf) = vpow2.f32 v26;
	v29 =	vmul.f32 $1.442695020e+00, v29  }
0xd3: {  	v26 =	vpop (erf);
	(erf) = vpow2.f32 v28  }
0xd4: {  	v28 =	vpop (erf)  }
0xd5: {  	(erf) = vpow2.f32 v27;
	v27 =	vpop (erf)  }
0xd6: {  	(erf) = vpow2.f32 v29;
	v29 =	vpop (erf)  }
0xd7: {  	v30 =	vpop (erf)  }
0xd8: {  	v31 =	vpop (erf)  }
0xd9: {  	v59 =	vpop (erf)  }
0xda: {  	v26 =	vnsel vm0, $0x0, v26;
	v60 =	vpop (erf)  }
0xdb: {  	v26 =	vsel vm1, v26, v28;
	v28 =	vnsel vm0, $0x0, v30;
	v30 =	vpop (erf)  }
0xdc: {  	v26 =	vsel vm2, v26, v27;
	v27 =	vsel vm1, v28, v31;
	v28 =	vnsel vm0, $0x0, v30;
	v30 =	vpop (erf)  }
0xdd: {  	v28 =	vsel vm1, v28, v30;
	_ =	sdelay $0x1  }
0xde: {  	v26 =	vsel vm3, v26, v29;
	v27 =	vsel vm2, v27, v59;
	v29 =	vpop (erf)  }
0xdf: {  	[tilespmem:s14+$0x7980] =	vst v26;
	v26 =	vsel vm3, v27, v60;
	v27 =	vsel vm2, v28, v29;
	v28 =	vpop (erf)  }
0xe0: {  	[tilespmem:s15+$0x7980] =	vst v26;
	v26 =	vsel vm3, v27, v28  }
0xe1: {  	[tilespmem:s16+$0x7980] =	vst v26  }
0xe2: {  	v26 =	vld [tilespmem:$0x0];
	_ =	sdelay $0x4  }
0xe3: {  	v26 =	vshll.u32 v26, $0x3  }
0xe4: {  	v26 =	vand.u32 $0x78, v26  }
0xe5: {  	v27 =	vld.idx.msk [tilespmem:v2+s0+$0x0], $0xffff;
	v28 =	vor.u32 v2, v26;
	_ =	sdelay $0x4  }
0xe6: {  	[tilespmem:v28+s25+$0x0] =	vst.idx.msk $0xffff, v27  }
0xe7: {  	v28 =	vor.u32 v3, v26;
	v27 =	vld.idx.msk [tilespmem:v3+s0+$0x0], $0xffff;
	_ =	sdelay $0x4  }
0xe8: {  	[tilespmem:v28+s25+$0x0] =	vst.idx.msk $0xffff, v27  }
0xe9: {  	v28 =	vor.u32 v4, v26;
	v27 =	vld.idx.msk [tilespmem:v4+s0+$0x0], $0xffff;
	_ =	sdelay $0x4  }
0xea: {  	[tilespmem:v28+s25+$0x0] =	vst.idx.msk $0xffff, v27  }
0xeb: {  	v26 =	vor.u32 v5, v26;
	v27 =	vld.idx.msk [tilespmem:v5+s0+$0x0], $0xffff;
	_ =	sdelay $0x4  }
0xec: {  	[tilespmem:v26+s25+$0x0] =	vst.idx.msk $0xffff, v27  }
0xed: {  	v26 =	vld [tilespmem:$0x10];
	_ =	sdelay $0x4  }
0xee: {  	v26 =	vshll.u32 v26, $0x3  }
0xef: {  	v26 =	vand.u32 $0x78, v26  }
0xf0: {  	v27 =	vld.idx.msk [tilespmem:v6+s0+$0x0], $0xffff;
	v28 =	vor.u32 v6, v26;
	_ =	sdelay $0x4  }
0xf1: {  	[tilespmem:v28+s25+$0x0] =	vst.idx.msk $0xffff, v27  }
0xf2: {  	v28 =	vor.u32 v7, v26;
	v27 =	vld.idx.msk [tilespmem:v7+s0+$0x0], $0xffff;
	_ =	sdelay $0x4  }
0xf3: {  	[tilespmem:v28+s25+$0x0] =	vst.idx.msk $0xffff, v27  }
0xf4: {  	v28 =	vor.u32 v8, v26;
	v27 =	vld.idx.msk [tilespmem:v8+s0+$0x0], $0xffff;
	_ =	sdelay $0x4  }
0xf5: {  	[tilespmem:v28+s25+$0x0] =	vst.idx.msk $0xffff, v27  }
0xf6: {  	v26 =	vor.u32 v9, v26;
	v27 =	vld.idx.msk [tilespmem:v9+s0+$0x0], $0xffff;
	_ =	sdelay $0x4  }
0xf7: {  	[tilespmem:v26+s25+$0x0] =	vst.idx.msk $0xffff, v27  }
0xf8: {  	v26 =	vld [tilespmem:$0x20];
	_ =	sdelay $0x4  }
0xf9: {  	v26 =	vshll.u32 v26, $0x3  }
0xfa: {  	v26 =	vand.u32 $0x78, v26  }
0xfb: {  	v27 =	vld.idx.msk [tilespmem:v10+s0+$0x0], $0xffff;
	v28 =	vor.u32 v10, v26;
	_ =	sdelay $0x4  }
0xfc: {  	[tilespmem:v28+s25+$0x0] =	vst.idx.msk $0xffff, v27  }
0xfd: {  	v28 =	vor.u32 v11, v26;
	v27 =	vld.idx.msk [tilespmem:v11+s0+$0x0], $0xffff;
	_ =	sdelay $0x4  }
0xfe: {  	[tilespmem:v28+s25+$0x0] =	vst.idx.msk $0xffff, v27  }
0xff: {  	v28 =	vor.u32 v12, v26;
	v27 =	vld.idx.msk [tilespmem:v12+s0+$0x0], $0xffff;
	_ =	sdelay $0x4  }
0x100: {  	[tilespmem:v28+s25+$0x0] =	vst.idx.msk $0xffff, v27  }
0x101: {  	v26 =	vor.u32 v13, v26;
	v27 =	vld.idx.msk [tilespmem:v13+s0+$0x0], $0xffff;
	_ =	sdelay $0x4  }
0x102: {  	[tilespmem:v26+s25+$0x0] =	vst.idx.msk $0xffff, v27  }
0x103: {  	v26 =	vld [tilespmem:$0x30];
	_ =	sdelay $0x4  }
0x104: {  	v26 =	vshll.u32 v26, $0x3  }
0x105: {  	v26 =	vand.u32 $0x78, v26  }
0x106: {  	v27 =	vld.idx.msk [tilespmem:v14+s0+$0x0], $0xffff;
	v28 =	vor.u32 v14, v26;
	_ =	sdelay $0x4  }
0x107: {  	[tilespmem:v28+s25+$0x0] =	vst.idx.msk $0xffff, v27  }
0x108: {  	v28 =	vor.u32 v15, v26;
	v27 =	vld.idx.msk [tilespmem:v15+s0+$0x0], $0xffff;
	_ =	sdelay $0x4  }
0x109: {  	[tilespmem:v28+s25+$0x0] =	vst.idx.msk $0xffff, v27  }
0x10a: {  	v28 =	vor.u32 v16, v26;
	v27 =	vld.idx.msk [tilespmem:v16+s0+$0x0], $0xffff;
	_ =	sdelay $0x4  }
0x10b: {  	[tilespmem:v28+s25+$0x0] =	vst.idx.msk $0xffff, v27  }
0x10c: {  	v26 =	vor.u32 v17, v26;
	v27 =	vld.idx.msk [tilespmem:v17+s0+$0x0], $0xffff;
	_ =	sdelay $0x4  }
0x10d: {  	[tilespmem:v26+s25+$0x0] =	vst.idx.msk $0xffff, v27  }
0x10e: {  	v26 =	vld [tilespmem:$0x40];
	_ =	sdelay $0x4  }
0x10f: {  	v26 =	vshll.u32 v26, $0x3  }
0x110: {  	v26 =	vand.u32 $0x78, v26  }
0x111: {  	v27 =	vld.idx.msk [tilespmem:v18+s0+$0x0], $0xffff;
	v28 =	vor.u32 v18, v26;
	_ =	sdelay $0x4  }
0x112: {  	[tilespmem:v28+s25+$0x0] =	vst.idx.msk $0xffff, v27  }
0x113: {  	v28 =	vor.u32 v19, v26;
	v27 =	vld.idx.msk [tilespmem:v19+s0+$0x0], $0xffff;
	_ =	sdelay $0x4  }
0x114: {  	[tilespmem:v28+s25+$0x0] =	vst.idx.msk $0xffff, v27  }
0x115: {  	v28 =	vor.u32 v20, v26;
	v27 =	vld.idx.msk [tilespmem:v20+s0+$0x0], $0xffff;
	_ =	sdelay $0x4  }
0x116: {  	[tilespmem:v28+s25+$0x0] =	vst.idx.msk $0xffff, v27  }
0x117: {  	v26 =	vor.u32 v21, v26;
	v27 =	vld.idx.msk [tilespmem:v21+s0+$0x0], $0xffff;
	_ =	sdelay $0x4  }
0x118: {  	[tilespmem:v26+s25+$0x0] =	vst.idx.msk $0xffff, v27  }
0x119: {  	[tilespmem:s29], [sflag:$0x2] =	stream.indirect.gather [hbm4b:s7+s28], $0x80, s26, s28, $0xb8;
	[tilespmem:$0x1F580] =	vst v63  }
0x11a: {  	_ =	swait.ge [sflag:s31], $0x2800  }
0x11b: {  	[sflag:s31] =	ssyncset.done $0x0  }
0x11c: {  	s15 =	simm.s32 $0x0;
	[sflag:s31] =	ssyncadd.s32 $0xFFFFD800  }
0x11d: {  	v27 =	vld [tilespmem:s15+$0x7980]  }
0x11e: {  	v31 =	vld [tilespmem:s15+$0x2980]  }
0x11f: {  	v61 =	vld [tilespmem:s15+$0x29F0]  }
0x120: {  	v62 =	vld [tilespmem:s15+$0x2990]  }
0x121: {  	v29 =	vld [tilespmem:s15+$0x29A0]  }
0x122: {  	v28 =	vld [tilespmem:s15+$0x29B0];
	v63 =	vperm.xlane v27, v22;
	v26 =	vperm.xlane v27, v25  }
0x123: {  	v30 =	vld [tilespmem:s15+$0x29C0];
	v32 =	vperm.xlane v27, v23  }
0x124: {  	v34 =	vmul.f32 v31, v63;
	v31 =	vld [tilespmem:s15+$0x29D0];
	v36 =	vmul.f32 v61, v26  }
0x125: {  	s14 =	simm.s32 $0x80;
	s16 =	simm.s32 $0x400;
	v33 =	vld [tilespmem:s15+$0x29E0];
	v27 =	vperm.xlane v27, v24;
	v35 =	vmul.f32 v62, v63  }
.LBB2_7:
0x126: {  	p0 =	sne.s32 s16, $0x9E00;
	v37 =	vld [tilespmem:s14+$0x7980];
	v29 =	vmul.f32 v29, v32;
	[tilespmem:s15+$0x1F0] =	vst v36  }
0x127: {  	v36 =	vld [tilespmem:s14+$0x2980];
	[tilespmem:s15+$0x180] =	vst v34;
	v28 =	vmul.f32 v28, v32  }
0x128: {  	v38 =	vld [tilespmem:s14+$0x29F0];
	[tilespmem:s15+$0x190] =	vst v35;
	v30 =	vmul.f32 v30, v27  }
0x129: {  	v35 =	vld [tilespmem:s14+$0x2990];
	[tilespmem:s15+$0x1A0] =	vst v29;
	v31 =	vmul.f32 v31, v27  }
.Ltmp2:
0x12a: {  	v29 =	vld [tilespmem:s14+$0x29A0];
	[tilespmem:s15+$0x1B0] =	vst v28;
	v33 =	vmul.f32 v33, v26;
	(pc) =	sbr.rel @p0 .LBB2_7-.Ltmp2, $4  }
0x12b: {  	v39 =	vperm.xlane v37, v22;
	v28 =	vld [tilespmem:s14+$0x29B0];
	v26 =	vperm.xlane v37, v25;
	[tilespmem:s15+$0x1C0] =	vst v30  }
0x12c: {  	v32 =	vperm.xlane v37, v23;
	v27 =	vperm.xlane v37, v24;
	v30 =	vld [tilespmem:s14+$0x29C0];
	[tilespmem:s15+$0x1D0] =	vst v31  }
0x12d: {  	v34 =	vmul.f32 v36, v39;
	v31 =	vld [tilespmem:s14+$0x29D0];
	v36 =	vmul.f32 v38, v26;
	[tilespmem:s15+$0x1E0] =	vst v33;
	s15 =	smov.u32 s14  }
0x12e: {  	s14 =	sshra.s32 s16, $0x2;
	s16 =	sadd.s32 $0x200, s16;
	v35 =	vmul.f32 v35, v39;
	v33 =	vld [tilespmem:s15+$0x29E0]  }
0x12f: {  	v37 =	vld [tilespmem:s14+$0x7980];
	[tilespmem:s15+$0x1F0] =	vst v36  }
0x130: {  	v29 =	vmul.f32 v29, v32;
	v36 =	vld [tilespmem:s14+$0x2980];
	[tilespmem:s15+$0x180] =	vst v34  }
0x131: {  	v28 =	vmul.f32 v28, v32;
	v34 =	vld [tilespmem:s14+$0x29F0];
	[tilespmem:s15+$0x190] =	vst v35  }
0x132: {  	v30 =	vmul.f32 v30, v27;
	v35 =	vld [tilespmem:s14+$0x2990];
	[tilespmem:s15+$0x1A0] =	vst v29  }
0x133: {  	v27 =	vmul.f32 v31, v27;
	v29 =	vld [tilespmem:s14+$0x29A0];
	[tilespmem:s15+$0x1B0] =	vst v28  }
0x134: {  	v28 =	vld [tilespmem:s14+$0x29B0];
	[tilespmem:s15+$0x1C0] =	vst v30;
	v47 =	vperm.xlane v37, v25  }
0x135: {  	v26 =	vmul.f32 v33, v26;
	v30 =	vld [tilespmem:s14+$0x29C0];
	[tilespmem:s15+$0x1D0] =	vst v27;
	v27 =	vperm.xlane v37, v22  }
0x136: {  	v49 =	vmul.f32 v34, v47  }
0x137: {  	v48 =	vld [tilespmem:s14+$0x29D0];
	[tilespmem:s15+$0x1E0] =	vst v26;
	v26 =	vperm.xlane v37, v23;
	v50 =	vmul.f32 v36, v27  }
0x138: {  	v51 =	vld [tilespmem:s14+$0x29E0];
	v27 =	vmul.f32 v35, v27;
	[tilespmem:s14+$0x1F0] =	vst v49  }
0x139: {  	v52 =	vperm.xlane v37, v24;
	v29 =	vmul.f32 v29, v26;
	[tilespmem:s14+$0x180] =	vst v50  }
0x13a: {  	v26 =	vmul.f32 v28, v26;
	[tilespmem:s14+$0x190] =	vst v27  }
0x13b: {  	v27 =	vmul.f32 v30, v52;
	[tilespmem:s14+$0x1A0] =	vst v29  }
0x13c: {  	v53 =	vmul.f32 v48, v52;
	[tilespmem:s14+$0x1B0] =	vst v26  }
0x13d: {  	v26 =	vmul.f32 v51, v47;
	[tilespmem:s14+$0x1C0] =	vst v27  }
0x13e: {  	[tilespmem:s14+$0x1D0] =	vst v53  }
0x13f: {  	[tilespmem:s14+$0x1E0] =	vst v26  }
0x140: {  	[spmem:s2] =	stream.indirect.scatter.add.f32 [tilespmem:s23], [sflag:$0x3], $0x80, s5, s28, $0xb8;
	[tilespmem:$0x1F580] =	vst v63  }
0x141: {  	_ =	swait.ge [sflag:s24], $0x2800  }
0x142: {  	[sflag:s24] =	ssyncset.done $0x0  }
0x143: {  	[sflag:s24] =	ssyncadd.s32 $0xFFFFD800  }
0x144: {  	[spmem:s3] =	stream.indirect.scatter.add.f32 [tilespmem:s25], [sflag:$0x3], $0x80, s4, s28, $0xb8;
	[tilespmem:$0x1F580] =	vst v63  }
0x145: {  	_ =	swait.ge [sflag:s24], $0x2800  }
0x146: {  	[sflag:s24] =	ssyncset.done $0x0  }
0x147: {  	[sflag:s24] =	ssyncadd.s32 $0xFFFFD800  }
0x148: {  	v26 =	vld [tilespmem:$0x0];
	_ =	sdelay $0x4  }
0x149: {  	v26 =	vshll.u32 v26, $0x3  }
0x14a: {  	v26 =	vand.u32 $0x78, v26  }
0x14b: {  	v27 =	vor.u32 v2, v26  }
0x14c: {  	v54 =	vor.u32 v3, v26  }
0x14d: {  	v55 =	vor.u32 v4, v26  }
0x14e: {  	v26 =	vor.u32 v5, v26;
	_ =	sdelay $0x1  }
0x14f: {  	[tilespmem:v27+s25+$0x0] =	vst.idx.msk $0xffff, v0  }
0x150: {  	[tilespmem:v54+s25+$0x0] =	vst.idx.msk $0xffff, v0  }
0x151: {  	[tilespmem:v55+s25+$0x0] =	vst.idx.msk $0xffff, v0  }
0x152: {  	[tilespmem:v26+s25+$0x0] =	vst.idx.msk $0xffff, v0  }
0x153: {  	v26 =	vld [tilespmem:$0x10];
	_ =	sdelay $0x4  }
0x154: {  	v26 =	vshll.u32 v26, $0x3  }
0x155: {  	v26 =	vand.u32 $0x78, v26  }
0x156: {  	v27 =	vor.u32 v6, v26  }
0x157: {  	v56 =	vor.u32 v7, v26  }
0x158: {  	v57 =	vor.u32 v8, v26  }
0x159: {  	v26 =	vor.u32 v9, v26;
	_ =	sdelay $0x1  }
0x15a: {  	[tilespmem:v27+s25+$0x0] =	vst.idx.msk $0xffff, v0  }
0x15b: {  	[tilespmem:v56+s25+$0x0] =	vst.idx.msk $0xffff, v0  }
0x15c: {  	[tilespmem:v57+s25+$0x0] =	vst.idx.msk $0xffff, v0  }
0x15d: {  	[tilespmem:v26+s25+$0x0] =	vst.idx.msk $0xffff, v0  }
0x15e: {  	v26 =	vld [tilespmem:$0x20];
	_ =	sdelay $0x4  }
0x15f: {  	v26 =	vshll.u32 v26, $0x3  }
0x160: {  	v26 =	vand.u32 $0x78, v26  }
0x161: {  	v27 =	vor.u32 v10, v26  }
0x162: {  	v58 =	vor.u32 v11, v26  }
0x163: {  	v59 =	vor.u32 v12, v26  }
0x164: {  	v26 =	vor.u32 v13, v26;
	_ =	sdelay $0x1  }
0x165: {  	[tilespmem:v27+s25+$0x0] =	vst.idx.msk $0xffff, v0  }
0x166: {  	[tilespmem:v58+s25+$0x0] =	vst.idx.msk $0xffff, v0  }
0x167: {  	[tilespmem:v59+s25+$0x0] =	vst.idx.msk $0xffff, v0  }
0x168: {  	[tilespmem:v26+s25+$0x0] =	vst.idx.msk $0xffff, v0  }
0x169: {  	v26 =	vld [tilespmem:$0x30];
	_ =	sdelay $0x4  }
0x16a: {  	v26 =	vshll.u32 v26, $0x3  }
0x16b: {  	v26 =	vand.u32 $0x78, v26  }
0x16c: {  	v27 =	vor.u32 v14, v26  }
0x16d: {  	v60 =	vor.u32 v15, v26  }
0x16e: {  	v61 =	vor.u32 v16, v26  }
0x16f: {  	v26 =	vor.u32 v17, v26;
	_ =	sdelay $0x1  }
0x170: {  	[tilespmem:v27+s25+$0x0] =	vst.idx.msk $0xffff, v0  }
0x171: {  	[tilespmem:v60+s25+$0x0] =	vst.idx.msk $0xffff, v0  }
0x172: {  	[tilespmem:v61+s25+$0x0] =	vst.idx.msk $0xffff, v0  }
0x173: {  	[tilespmem:v26+s25+$0x0] =	vst.idx.msk $0xffff, v0  }
0x174: {  	v26 =	vld [tilespmem:$0x40];
	_ =	sdelay $0x4  }
0x175: {  	v26 =	vshll.u32 v26, $0x3  }
0x176: {  	v26 =	vand.u32 $0x78, v26  }
0x177: {  	v27 =	vor.u32 v18, v26  }
0x178: {  	v62 =	vor.u32 v19, v26  }
0x179: {  	s13 =	sadd.s32 $0x1, s13;
	v63 =	vor.u32 v20, v26  }
0x17a: {  	p0 =	sne.s32 s13, $0x7D;
	v26 =	vor.u32 v21, v26  }
.Ltmp3:
0x17b: {  	_ = 	snop;
	(pc) =	sbr.rel @p0 .LBB2_4-.Ltmp3, $4  }
0x17c: {  	[tilespmem:v27+s25+$0x0] =	vst.idx.msk $0xffff, v0  }
0x17d: {  	[tilespmem:v62+s25+$0x0] =	vst.idx.msk $0xffff, v0  }
0x17e: {  	[tilespmem:v63+s25+$0x0] =	vst.idx.msk $0xffff, v0  }
0x17f: {  	[tilespmem:v26+s25+$0x0] =	vst.idx.msk $0xffff, v0  }
0x180: {  	s12 =	stileid.u32  }
0x181: {  	[bflag:$0x0] =	sbarrier.arrive $0xFFFF;
	s12 =	sshll.u32 s12, $0x6  }
0x182: {  	s13 =	sshrl.u32 s10, $0x3;
	s14 =	rddreg [dreg:$0xc];
	s12 =	sor.u32 $0x1C03, s12  }
0x183: {  	[hbm:s14], [sflag:s12] =	dma.local [spmem:s13], $0x2800  }
0x184: {  	s11 =	sadd.s32 $0x1, s11;
	_ =	swait.ge [sflag:s24], $0x2800  }
0x185: {  	p0 =	sne.s32 s11, s22;
	[sflag:s24] =	ssyncset.done $0x0  }
.Ltmp4:
0x186: {  	s20 =	sshrl.u32 s18, $0x3;
	[sflag:s24] =	ssyncadd.s32 $0xFFFFD800;
	(pc) =	sbr.rel @p0 .LBB2_1-.Ltmp4, $4  }
0x187: {  	[hbm:s21], [sflag:s12] =	dma.local [spmem:s20], $0x280  }
0x188: {  	_ =	swait.ge [sflag:s24], $0x280  }
0x189: {  	[sflag:s24] =	ssyncset.done $0x0  }
0x18a: {  	[sflag:s24] =	ssyncadd.s32 $0xFFFFFD80  }
0x18b: {  	_ =	sfence.sel $0x180000  }
0x18c: {  	[bflag:$0x0] =	sbarrier.arrive $0xFFFF  }
0x18d: {  	_ =	strace $0x90000047  }
0x18e: {  	s0 =	stileid.u32;
	[bflag:$0x2] =	sbarrier.arrive $0xFFFF  }
0x18f: {  	p0 =	sne.s32 s0, $0x0;
	s0 =	rddreg [dreg:$0x4]  }
0x190: {  	s0 =	sadd.s32 @!p0 $0x100000, s0  }
0x191: {  	[sflag:s0] =	ssyncadd.tile.s32 @!p0 $0x1;
	_ =	shalt  }
.Lfunc_end2:
_tile_overlayer_lowered:
.L_overlay_start_2:
0x192: {  	(tag) =	ssettag $0x2  }
0x193: {  	s0 =	rddreg [dreg:$0x0];
	s2 =	stileid.u32  }
0x194: {  	s1 =	rddreg [dreg:$0x1];
	p0 =	sne.s32 s2, $0x0  }
0x195: {  	s3 =	rddreg [dreg:$0x2];
	[bflag:$0x3] =	sbarrier.arrive $0xFFFF;
	s2 =	simm.s32 @!p0 $0x1C03  }
0x196: {  	[timem:s3], [sflag:s2] =	dma.local @!p0 [hbm:s0], s1  }
0x197: {  	s0 =	simm.s32 @!p0 $0x3  }
0x198: {  	_ =	swait.ge @!p0 [sflag:s0], s1  }
0x199: {  	s1 =	ssub.s32 @!p0 $0x0, s1;
	[sflag:s0] =	ssyncset.done @!p0 $0x0  }
0x19a: {  	[sflag:s0] =	ssyncadd.s32 @!p0 s1  }
0x19b: {  	[bflag:$0x3] =	sbarrier.arrive $0xFFFF  }
0x19c: {  	_ =	shalt  }

</sc_bundles>
